<compile_context>
chip_gen: v7x
topology: tpu7x:2x2x1
jax: 0.10.2.dev20260603
libtpu: 0.0.44.dev20260713+nightly
codegen_flags: <defaults>
</compile_context>

<pallas_src>
import functools

import jax
import jax.numpy as jnp
from jax import lax
from jax.experimental import pallas as pl
from jax.experimental.pallas import tpu as pltpu
from jax.experimental.pallas import tpu_sc as plsc

E = 64
L = 16
NW = 32
BLK = 32768
GRID = 31
M_PAD = GRID * BLK
CHUNK = M_PAD // NW


def _scores_body(m, xt_ref, q_ref, s_ref):
    xt = xt_ref[...]
    qcol = q_ref[...]
    d = jnp.sum(xt * qcol, axis=0, keepdims=True)
    ss = jnp.sum(xt * xt, axis=0, keepdims=True)
    s = d / jnp.maximum(jnp.sqrt(ss), 1e-8)
    i = pl.program_id(0)
    lane = lax.broadcasted_iota(jnp.int32, (1, BLK), 1)
    valid = (i * BLK + lane) < m
    s_ref[0] = jnp.where(valid, s, -jnp.inf)


def _tc_scores(keys_t, qcol):
    m = keys_t.shape[1]
    return pl.pallas_call(
        functools.partial(_scores_body, m),
        grid=(GRID,),
        in_specs=[
            pl.BlockSpec((E, BLK), lambda i: (0, i)),
            pl.BlockSpec((E, 1), lambda i: (0, 0)),
        ],
        out_specs=pl.BlockSpec((1, 1, BLK), lambda i: (i, 0, 0)),
        out_shape=jax.ShapeDtypeStruct((GRID, 1, BLK), jnp.float32),
    )(keys_t, qcol)


def _sc_scan(sv, n_iters, base, run_v, run_i, thr):
    lanes = lax.iota(jnp.int32, L)

    def merge(run_v, run_i, thr, v, gidx):
        sv_d, si_d = plsc.sort_key_val(v, gidx, descending=True)
        pred = sv_d >= run_v
        hi = jnp.where(pred, sv_d, run_v)
        hi_i = jnp.where(pred, si_d, run_i)
        nrv, nri = plsc.sort_key_val(hi, hi_i)
        thr_v = lax.gather(
            nrv, jnp.full((L, 1), 11, jnp.int32),
            lax.GatherDimensionNumbers(offset_dims=(), collapsed_slice_dims=(0,),
                                       start_index_map=(0,)),
            (1,), mode=lax.GatherScatterMode.PROMISE_IN_BOUNDS)
        return nrv, nri, thr_v

    def merge4(run_v, run_i, thr, vs, gidx0):
        for k, v in enumerate(vs):
            run_v, run_i, thr = merge(run_v, run_i, thr, v, gidx0 + k * L)
        return run_v, run_i, thr

    def keep(run_v, run_i, thr, vs, gidx0):
        return run_v, run_i, thr

    def body(j, carry):
        run_v, run_i, thr = carry
        off = j * (4 * L)
        vs = tuple(sv[pl.ds(off + k * L, L)] for k in range(4))
        vm = jnp.maximum(jnp.maximum(vs[0], vs[1]),
                         jnp.maximum(vs[2], vs[3]))
        gidx0 = base + off + lanes
        cnt = plsc.all_reduce_population_count(vm > thr)
        return lax.cond(cnt[0] > 0, merge4, keep,
                        run_v, run_i, thr, vs, gidx0)

    return lax.fori_loop(0, n_iters // 4, body, (run_v, run_i, thr),
                         unroll=2)


def _sc_topk_body(scores_hbm, cv_hbm, ci_hbm, sv, rv, ri):
    c = lax.axis_index("c")
    s = lax.axis_index("s")
    wid = s * 2 + c
    neg = jnp.full((L,), -jnp.inf, jnp.float32)
    run0 = (neg, jnp.zeros((L,), jnp.int32), neg)

    base = pl.multiple_of(wid * CHUNK, 16)
    pltpu.sync_copy(scores_hbm.at[pl.ds(base, CHUNK)], sv)
    run_v, run_i, _ = _sc_scan(sv, CHUNK // L, base, *run0)
    rv[...] = run_v
    ri[...] = run_i
    pltpu.sync_copy(rv, cv_hbm.at[wid])
    pltpu.sync_copy(ri, ci_hbm.at[wid])


@functools.lru_cache(maxsize=None)
def _sc_topk_kernel():
    return pl.kernel(
        _sc_topk_body,
        mesh=plsc.VectorSubcoreMesh(core_axis_name="c", subcore_axis_name="s"),
        compiler_params=pltpu.CompilerParams(needs_layout_passes=False),
        out_type=(
            jax.ShapeDtypeStruct((NW, L), jnp.float32),
            jax.ShapeDtypeStruct((NW, L), jnp.int32),
        ),
        scratch_types=[
            pltpu.VMEM((CHUNK,), jnp.float32),
            pltpu.VMEM((L,), jnp.float32),
            pltpu.VMEM((L,), jnp.int32),
        ],
    )


def _sc_topk(scores_flat):
    return _sc_topk_kernel()(scores_flat)


def _select_body(cv_ref, ci_ref, o_ref):
    cv = cv_ref[...]
    ci = ci_ref[...]
    lanes = lax.broadcasted_iota(jnp.int32, (1, 8), 1)
    idx_out = jnp.zeros((1, 8), jnp.int32)
    for j in range(5):
        m = jnp.max(cv)
        sel = cv >= m
        cj = jnp.min(jnp.where(sel, ci, jnp.int32(1 << 30)))
        idx_out = jnp.where(lanes == j, cj, idx_out)
        cv = jnp.where(sel & (ci == cj), -jnp.inf, cv)
    o_ref[...] = idx_out


def _tc_select(cv, ci):
    return pl.pallas_call(
        _select_body,
        out_shape=jax.ShapeDtypeStruct((1, 8), jnp.int32),
    )(cv, ci)


def _fuse_body(rows_ref, co_ref, so_ref, w_ref, b_ref, o_ref):
    msum = jnp.sum(rows_ref[...], axis=0, keepdims=True) * 0.2
    comb = jnp.concatenate([co_ref[...], so_ref[...], msum], axis=1)
    out = lax.dot_general(comb, w_ref[...], (((1,), (1,)), ((), ())),
                          precision=lax.Precision.HIGHEST)
    o_ref[...] = out + b_ref[...]


def _tc_fuse(rows, co, so, w, b):
    return pl.pallas_call(
        _fuse_body,
        out_shape=jax.ShapeDtypeStruct((1, E), jnp.float32),
    )(rows, co, so, w, b)


def kernel(core_output, study_output, query, memory_keys, memory_values,
           fusion_W, fusion_b, top_k):
    m = memory_keys.shape[0]
    qcol = query.astype(jnp.float32).reshape(E, 1)

    scores = _tc_scores(jnp.swapaxes(memory_keys, 0, 1), qcol)
    cv, ci = _sc_topk(scores.reshape(M_PAD))
    idx8 = _tc_select(cv, ci)
    rows = jnp.concatenate(
        [lax.dynamic_slice(memory_values, (idx8[0, j], 0), (1, E))
         for j in range(5)], axis=0)
    out = _tc_fuse(rows, core_output.reshape(1, E), study_output.reshape(1, E),
                   fusion_W, fusion_b.reshape(1, E))
    return out.reshape(E)

# --- scband reference (transcript-rebuilt; emitter-appended) ---
"""Pipeline reference for scband-memory-system-56444460204436 (READ-ONLY COPY).

The authoritative reference and input builder live on the scoring server;
editing this copy changes nothing except your own understanding.
"""

import jax, jax.numpy as jnp
import numpy as np

EMBED_DIM = 64
MEMORY_SIZE = 1000000
TOP_K = 5

def setup_inputs(seed: int = 0) -> dict:
    key = jax.random.key(seed)
    ks = jax.random.split(key, 7)
    E = EMBED_DIM
    M = MEMORY_SIZE
    return {
        "core_output": jax.random.normal(ks[0], (E,), dtype=jnp.float32),
        "study_output": jax.random.normal(ks[1], (E,), dtype=jnp.float32),
        "query": jax.random.normal(ks[2], (E,), dtype=jnp.float32),
        "memory_keys": jax.random.normal(ks[3], (M, E), dtype=jnp.float32),
        "memory_values": jax.random.normal(ks[4], (M, E), dtype=jnp.float32),
        "fusion_W": jax.random.normal(ks[5], (E, 3 * E), dtype=jnp.float32) * 0.02,
        "fusion_b": jnp.zeros((E,), dtype=jnp.float32),
        "top_k": TOP_K,
    }

def reference(core_output, study_output, query, memory_keys, memory_values, fusion_W, fusion_b, top_k):
    eps = 1e-8
    # F.cosine_similarity(query.unsqueeze(0), memory_keys, dim=-1)
    q_norm = jnp.maximum(jnp.linalg.norm(query), eps)
    k_norms = jnp.maximum(jnp.linalg.norm(memory_keys, axis=-1), eps)
    similarities = (memory_keys @ query) / (k_norms * q_norm)
    # torch.topk(similarities, top_k).indices
    _, topk_idx = jax.lax.top_k(similarities, TOP_K)
    topk_idx = topk_idx + (top_k - top_k)
    # memory_values[topk_idx]  (gather)
    memory_context = jnp.take(memory_values, topk_idx, axis=0)
    mem_summary = memory_context.mean(axis=0)
    combined = jnp.concatenate([core_output, study_output, mem_summary], axis=-1)
    # nn.Linear: combined @ W.T + b
    return combined @ fusion_W.T + fusion_b

if __name__ == "__main__":
    import jax
    _d = setup_inputs()
    print(jax.jit(kernel)(*tuple(_d.values())))

</pallas_src>

<mosaic_0001>
#map = affine_map<(d0, d1) -> (0)>
#map1 = affine_map<(d0, d1) -> (0, 0)>
module attributes {stable_mosaic.version = 14 : i64} {
  func.func @_sc_topk_body(%arg0: i32, %arg1: i32, %arg2: memref<1015808xf32, #tpu.memory_space<hbm>>, %arg3: memref<32x16xf32, #tpu.memory_space<hbm>>, %arg4: memref<32x16xi32, #tpu.memory_space<hbm>>, %arg5: memref<31744xf32, #tpu.memory_space<vmem>>, %arg6: memref<16xf32, #tpu.memory_space<vmem>>, %arg7: memref<16xi32, #tpu.memory_space<vmem>>) attributes {dimension_semantics = [#tpu.dimension_semantics<core_parallel>, #tpu.dimension_semantics<subcore_parallel>], iteration_bounds = array<i64: 2, 16>, scalar_prefetch = 0 : i64, scratch_operands = 3 : i64, tpu.core_type = #tpu.core_type<sc_vector_subcore>, window_params = [{transform_indices = #map}, {transform_indices = #map1}, {transform_indices = #map1}]} {
    %mul3A = arith.constant 2 : i32
    %mul3A_0 = arith.muli %arg1, %mul3A : i32
    %add3A = arith.addi %mul3A_0, %arg0 : i32
    %broadcast_in_dim3A = arith.constant 0xFF800000 : f32
    %broadcast_in_dim3A_1 = vector.broadcast %broadcast_in_dim3A : f32 to vector<16xf32>
    %broadcast_in_dim3A_2 = arith.constant 0 : i32
    %broadcast_in_dim3A_3 = vector.broadcast %broadcast_in_dim3A_2 : i32 to vector<16xi32>
    %mul3A_4 = arith.constant 31744 : i32
    %mul3A_5 = arith.muli %add3A, %mul3A_4 : i32
    %multiple_of3A = tpu.assume_multiple %mul3A_5, 16 : i32
    "tpu.region"() ({
      %run_scoped3A = tpu.sem_alloc : memref<!tpu.dma_semaphore, #tpu.memory_space<semaphore_mem>>
      %dma_start3A = tpu.memref_slice %arg2[%multiple_of3A] : memref<1015808xf32, #tpu.memory_space<hbm>> -> memref<31744xf32, #tpu.memory_space<hbm>>
      %dma_start3A_14 = tpu.memref_slice %arg2[%multiple_of3A] : memref<1015808xf32, #tpu.memory_space<hbm>> -> memref<31744xf32, #tpu.memory_space<hbm>>
      tpu.enqueue_dma source(%dma_start3A_14 : memref<31744xf32, #tpu.memory_space<hbm>>) target(%arg5 : memref<31744xf32, #tpu.memory_space<vmem>>) target_semaphore(%run_scoped3A : memref<!tpu.dma_semaphore, #tpu.memory_space<semaphore_mem>>)
      %dma_wait3A = tpu.memref_slice %arg2[%multiple_of3A] : memref<1015808xf32, #tpu.memory_space<hbm>> -> memref<31744xf32, #tpu.memory_space<hbm>>
      %dma_wait3A_15 = tpu.memref_slice %arg2[%multiple_of3A] : memref<1015808xf32, #tpu.memory_space<hbm>> -> memref<31744xf32, #tpu.memory_space<hbm>>
      tpu.wait_dma2 semaphore(%run_scoped3A : memref<!tpu.dma_semaphore, #tpu.memory_space<semaphore_mem>>) src(%dma_wait3A_15 : memref<31744xf32, #tpu.memory_space<hbm>>) dst(%arg5 : memref<31744xf32, #tpu.memory_space<vmem>>)
      tpu.yield
    }) : () -> ()
    %iota3A = tpu.iota {dimensions = array<i32: 0>} : vector<16xi32>
    %scan3A = arith.constant 0 : i32
    %scan3A_6 = arith.constant 496 : i32
    %scan3A_7 = arith.addi %scan3A, %scan3A_6 : i32
    %scan3A_8 = arith.constant 2 : i32
    %scan3A_9:3 = scf.for %scan3A_14 = %scan3A to %scan3A_7 step %scan3A_8 iter_args(%scan3A_15 = %broadcast_in_dim3A_1, %scan3A_16 = %broadcast_in_dim3A_3, %scan3A_17 = %broadcast_in_dim3A_1) -> (vector<16xf32>, vector<16xi32>, vector<16xf32>)  : i32 {
      %mul3A_18 = arith.constant 64 : i32
      %mul3A_19 = arith.muli %scan3A_14, %mul3A_18 : i32
      %add3A_20 = arith.constant 0 : i32
      %add3A_21 = arith.addi %mul3A_19, %add3A_20 : i32
      %get3A = arith.index_cast %add3A_21 : i32 to index
      %get3A_22 = tpu.vector_load %arg5[%get3A] {strides = array<i32>} : memref<31744xf32, #tpu.memory_space<vmem>>, vector<16xf32>,
      %add3A_23 = arith.constant 16 : i32
      %add3A_24 = arith.addi %mul3A_19, %add3A_23 : i32
      %get3A_25 = arith.index_cast %add3A_24 : i32 to index
      %get3A_26 = tpu.vector_load %arg5[%get3A_25] {strides = array<i32>} : memref<31744xf32, #tpu.memory_space<vmem>>, vector<16xf32>,
      %add3A_27 = arith.constant 32 : i32
      %add3A_28 = arith.addi %mul3A_19, %add3A_27 : i32
      %get3A_29 = arith.index_cast %add3A_28 : i32 to index
      %get3A_30 = tpu.vector_load %arg5[%get3A_29] {strides = array<i32>} : memref<31744xf32, #tpu.memory_space<vmem>>, vector<16xf32>,
      %add3A_31 = arith.constant 48 : i32
      %add3A_32 = arith.addi %mul3A_19, %add3A_31 : i32
      %get3A_33 = arith.index_cast %add3A_32 : i32 to index
      %get3A_34 = tpu.vector_load %arg5[%get3A_33] {strides = array<i32>} : memref<31744xf32, #tpu.memory_space<vmem>>, vector<16xf32>,
      %max3A = arith.maximumf %get3A_22, %get3A_26 : vector<16xf32>
      %max3A_35 = arith.maximumf %get3A_30, %get3A_34 : vector<16xf32>
      %max3A_36 = arith.maximumf %max3A, %max3A_35 : vector<16xf32>
      %add3A_37 = arith.addi %multiple_of3A, %mul3A_19 : i32
      %add3A_38 = vector.broadcast %add3A_37 : i32 to vector<16xi32>
      %add3A_39 = arith.addi %add3A_38, %iota3A : vector<16xi32>
      %gt3A = arith.cmpf ogt, %max3A_36, %scan3A_17 : vector<16xf32>
      %all_reduce_population_count3A = tpu.all_reduce %gt3A {dim = 0 : i64, kind = #tpu.reduction_kind<sum>} : vector<16xi1> -> vector<16xi32>
      %slice3A = vector.extract_strided_slice %all_reduce_population_count3A {offsets = [0], sizes = [1], strides = [1]} : vector<16xi32> to vector<1xi32>
      %squeeze3A = vector.extract %slice3A[0] : i32 from vector<1xi32>
      %gt3A_40 = arith.constant 0 : i32
      %gt3A_41 = arith.cmpi sgt, %squeeze3A, %gt3A_40 : i32
      %convert_element_type3A = arith.extui %gt3A_41 : i1 to i32
      %cond3A = arith.constant 0 : i32
      %cond3A_42 = arith.cmpi ne, %convert_element_type3A, %cond3A : i32
      %cond3A_43:3 = scf.if %cond3A_42 -> (vector<16xf32>, vector<16xi32>, vector<16xf32>) {
        %add3A_80 = arith.constant 0 : i32
        %add3A_81 = vector.broadcast %add3A_80 : i32 to vector<16xi32>
        %add3A_82 = arith.addi %add3A_39, %add3A_81 : vector<16xi32>
        %masked_sort3A = arith.constant dense<true> : vector<16xi1>
        %masked_sort3A_83, %masked_sort3A_84, %masked_sort3A_85 = tpu.sort %get3A_22, %add3A_82 masked %masked_sort3A {descending = true} : (vector<16xf32>, vector<16xi32>, vector<16xi1>) -> (vector<16xi1>, vector<16xf32>, vector<16xi32>)
        %ge3A = arith.cmpf oge, %masked_sort3A_84, %scan3A_15 : vector<16xf32>
        %select_n3A = arith.select %ge3A, %masked_sort3A_84, %scan3A_15 : vector<16xi1>, vector<16xf32>
        %select_n3A_86 = arith.select %ge3A, %masked_sort3A_85, %scan3A_16 : vector<16xi1>, vector<16xi32>
        %masked_sort3A_87 = arith.constant dense<true> : vector<16xi1>
        %masked_sort3A_88, %masked_sort3A_89, %masked_sort3A_90 = tpu.sort %select_n3A, %select_n3A_86 masked %masked_sort3A_87 : (vector<16xf32>, vector<16xi32>, vector<16xi1>) -> (vector<16xi1>, vector<16xf32>, vector<16xi32>)
        %broadcast_in_dim3A_91 = arith.constant 11 : i32
        %broadcast_in_dim3A_92 = vector.broadcast %broadcast_in_dim3A_91 : i32 to vector<16x1xi32>
        %gather3A = vector.shape_cast %broadcast_in_dim3A_92 : vector<16x1xi32> to vector<16xi32>
        %gather3A_93 = tpu.dynamic_gather %masked_sort3A_89[%gather3A] in [0] : vector<16xf32>, vector<16xi32> -> vector<16xf32>
        %add3A_94 = arith.constant 16 : i32
        %add3A_95 = vector.broadcast %add3A_94 : i32 to vector<16xi32>
        %add3A_96 = arith.addi %add3A_39, %add3A_95 : vector<16xi32>
        %masked_sort3A_97 = arith.constant dense<true> : vector<16xi1>
        %masked_sort3A_98, %masked_sort3A_99, %masked_sort3A_100 = tpu.sort %get3A_26, %add3A_96 masked %masked_sort3A_97 {descending = true} : (vector<16xf32>, vector<16xi32>, vector<16xi1>) -> (vector<16xi1>, vector<16xf32>, vector<16xi32>)
        %ge3A_101 = arith.cmpf oge, %masked_sort3A_99, %masked_sort3A_89 : vector<16xf32>
        %select_n3A_102 = arith.select %ge3A_101, %masked_sort3A_99, %masked_sort3A_89 : vector<16xi1>, vector<16xf32>
        %select_n3A_103 = arith.select %ge3A_101, %masked_sort3A_100, %masked_sort3A_90 : vector<16xi1>, vector<16xi32>
        %masked_sort3A_104 = arith.constant dense<true> : vector<16xi1>
        %masked_sort3A_105, %masked_sort3A_106, %masked_sort3A_107 = tpu.sort %select_n3A_102, %select_n3A_103 masked %masked_sort3A_104 : (vector<16xf32>, vector<16xi32>, vector<16xi1>) -> (vector<16xi1>, vector<16xf32>, vector<16xi32>)
        %broadcast_in_dim3A_108 = arith.constant 11 : i32
        %broadcast_in_dim3A_109 = vector.broadcast %broadcast_in_dim3A_108 : i32 to vector<16x1xi32>
        %gather3A_110 = vector.shape_cast %broadcast_in_dim3A_109 : vector<16x1xi32> to vector<16xi32>
        %gather3A_111 = tpu.dynamic_gather %masked_sort3A_106[%gather3A_110] in [0] : vector<16xf32>, vector<16xi32> -> vector<16xf32>
        %add3A_112 = arith.constant 32 : i32
        %add3A_113 = vector.broadcast %add3A_112 : i32 to vector<16xi32>
        %add3A_114 = arith.addi %add3A_39, %add3A_113 : vector<16xi32>
        %masked_sort3A_115 = arith.constant dense<true> : vector<16xi1>
        %masked_sort3A_116, %masked_sort3A_117, %masked_sort3A_118 = tpu.sort %get3A_30, %add3A_114 masked %masked_sort3A_115 {descending = true} : (vector<16xf32>, vector<16xi32>, vector<16xi1>) -> (vector<16xi1>, vector<16xf32>, vector<16xi32>)
        %ge3A_119 = arith.cmpf oge, %masked_sort3A_117, %masked_sort3A_106 : vector<16xf32>
        %select_n3A_120 = arith.select %ge3A_119, %masked_sort3A_117, %masked_sort3A_106 : vector<16xi1>, vector<16xf32>
        %select_n3A_121 = arith.select %ge3A_119, %masked_sort3A_118, %masked_sort3A_107 : vector<16xi1>, vector<16xi32>
        %masked_sort3A_122 = arith.constant dense<true> : vector<16xi1>
        %masked_sort3A_123, %masked_sort3A_124, %masked_sort3A_125 = tpu.sort %select_n3A_120, %select_n3A_121 masked %masked_sort3A_122 : (vector<16xf32>, vector<16xi32>, vector<16xi1>) -> (vector<16xi1>, vector<16xf32>, vector<16xi32>)
        %broadcast_in_dim3A_126 = arith.constant 11 : i32
        %broadcast_in_dim3A_127 = vector.broadcast %broadcast_in_dim3A_126 : i32 to vector<16x1xi32>
        %gather3A_128 = vector.shape_cast %broadcast_in_dim3A_127 : vector<16x1xi32> to vector<16xi32>
        %gather3A_129 = tpu.dynamic_gather %masked_sort3A_124[%gather3A_128] in [0] : vector<16xf32>, vector<16xi32> -> vector<16xf32>
        %add3A_130 = arith.constant 48 : i32
        %add3A_131 = vector.broadcast %add3A_130 : i32 to vector<16xi32>
        %add3A_132 = arith.addi %add3A_39, %add3A_131 : vector<16xi32>
        %masked_sort3A_133 = arith.constant dense<true> : vector<16xi1>
        %masked_sort3A_134, %masked_sort3A_135, %masked_sort3A_136 = tpu.sort %get3A_34, %add3A_132 masked %masked_sort3A_133 {descending = true} : (vector<16xf32>, vector<16xi32>, vector<16xi1>) -> (vector<16xi1>, vector<16xf32>, vector<16xi32>)
        %ge3A_137 = arith.cmpf oge, %masked_sort3A_135, %masked_sort3A_124 : vector<16xf32>
        %select_n3A_138 = arith.select %ge3A_137, %masked_sort3A_135, %masked_sort3A_124 : vector<16xi1>, vector<16xf32>
        %select_n3A_139 = arith.select %ge3A_137, %masked_sort3A_136, %masked_sort3A_125 : vector<16xi1>, vector<16xi32>
        %masked_sort3A_140 = arith.constant dense<true> : vector<16xi1>
        %masked_sort3A_141, %masked_sort3A_142, %masked_sort3A_143 = tpu.sort %select_n3A_138, %select_n3A_139 masked %masked_sort3A_140 : (vector<16xf32>, vector<16xi32>, vector<16xi1>) -> (vector<16xi1>, vector<16xf32>, vector<16xi32>)
        %broadcast_in_dim3A_144 = arith.constant 11 : i32
        %broadcast_in_dim3A_145 = vector.broadcast %broadcast_in_dim3A_144 : i32 to vector<16x1xi32>
        %gather3A_146 = vector.shape_cast %broadcast_in_dim3A_145 : vector<16x1xi32> to vector<16xi32>
        %gather3A_147 = tpu.dynamic_gather %masked_sort3A_142[%gather3A_146] in [0] : vector<16xf32>, vector<16xi32> -> vector<16xf32>
        scf.yield %masked_sort3A_142, %masked_sort3A_143, %gather3A_147 : vector<16xf32>, vector<16xi32>, vector<16xf32>
      } else {
        scf.yield %scan3A_15, %scan3A_16, %scan3A_17 : vector<16xf32>, vector<16xi32>, vector<16xf32>
      }
      %scan3A_44 = arith.constant 1 : i32
      %scan3A_45 = arith.addi %scan3A_14, %scan3A_44 : i32
      %mul3A_46 = arith.constant 64 : i32
      %mul3A_47 = arith.muli %scan3A_45, %mul3A_46 : i32
      %add3A_48 = arith.constant 0 : i32
      %add3A_49 = arith.addi %mul3A_47, %add3A_48 : i32
      %get3A_50 = arith.index_cast %add3A_49 : i32 to index
      %get3A_51 = tpu.vector_load %arg5[%get3A_50] {strides = array<i32>} : memref<31744xf32, #tpu.memory_space<vmem>>, vector<16xf32>,
      %add3A_52 = arith.constant 16 : i32
      %add3A_53 = arith.addi %mul3A_47, %add3A_52 : i32
      %get3A_54 = arith.index_cast %add3A_53 : i32 to index
      %get3A_55 = tpu.vector_load %arg5[%get3A_54] {strides = array<i32>} : memref<31744xf32, #tpu.memory_space<vmem>>, vector<16xf32>,
      %add3A_56 = arith.constant 32 : i32
      %add3A_57 = arith.addi %mul3A_47, %add3A_56 : i32
      %get3A_58 = arith.index_cast %add3A_57 : i32 to index
      %get3A_59 = tpu.vector_load %arg5[%get3A_58] {strides = array<i32>} : memref<31744xf32, #tpu.memory_space<vmem>>, vector<16xf32>,
      %add3A_60 = arith.constant 48 : i32
      %add3A_61 = arith.addi %mul3A_47, %add3A_60 : i32
      %get3A_62 = arith.index_cast %add3A_61 : i32 to index
      %get3A_63 = tpu.vector_load %arg5[%get3A_62] {strides = array<i32>} : memref<31744xf32, #tpu.memory_space<vmem>>, vector<16xf32>,
      %max3A_64 = arith.maximumf %get3A_51, %get3A_55 : vector<16xf32>
      %max3A_65 = arith.maximumf %get3A_59, %get3A_63 : vector<16xf32>
      %max3A_66 = arith.maximumf %max3A_64, %max3A_65 : vector<16xf32>
      %add3A_67 = arith.addi %multiple_of3A, %mul3A_47 : i32
      %add3A_68 = vector.broadcast %add3A_67 : i32 to vector<16xi32>
      %add3A_69 = arith.addi %add3A_68, %iota3A : vector<16xi32>
      %gt3A_70 = arith.cmpf ogt, %max3A_66, %cond3A_43#2 : vector<16xf32>
      %all_reduce_population_count3A_71 = tpu.all_reduce %gt3A_70 {dim = 0 : i64, kind = #tpu.reduction_kind<sum>} : vector<16xi1> -> vector<16xi32>
      %slice3A_72 = vector.extract_strided_slice %all_reduce_population_count3A_71 {offsets = [0], sizes = [1], strides = [1]} : vector<16xi32> to vector<1xi32>
      %squeeze3A_73 = vector.extract %slice3A_72[0] : i32 from vector<1xi32>
      %gt3A_74 = arith.constant 0 : i32
      %gt3A_75 = arith.cmpi sgt, %squeeze3A_73, %gt3A_74 : i32
      %convert_element_type3A_76 = arith.extui %gt3A_75 : i1 to i32
      %cond3A_77 = arith.constant 0 : i32
      %cond3A_78 = arith.cmpi ne, %convert_element_type3A_76, %cond3A_77 : i32
      %cond3A_79:3 = scf.if %cond3A_78 -> (vector<16xf32>, vector<16xi32>, vector<16xf32>) {
        %add3A_80 = arith.constant 0 : i32
        %add3A_81 = vector.broadcast %add3A_80 : i32 to vector<16xi32>
        %add3A_82 = arith.addi %add3A_69, %add3A_81 : vector<16xi32>
        %masked_sort3A = arith.constant dense<true> : vector<16xi1>
        %masked_sort3A_83, %masked_sort3A_84, %masked_sort3A_85 = tpu.sort %get3A_51, %add3A_82 masked %masked_sort3A {descending = true} : (vector<16xf32>, vector<16xi32>, vector<16xi1>) -> (vector<16xi1>, vector<16xf32>, vector<16xi32>)
        %ge3A = arith.cmpf oge, %masked_sort3A_84, %cond3A_43#0 : vector<16xf32>
        %select_n3A = arith.select %ge3A, %masked_sort3A_84, %cond3A_43#0 : vector<16xi1>, vector<16xf32>
        %select_n3A_86 = arith.select %ge3A, %masked_sort3A_85, %cond3A_43#1 : vector<16xi1>, vector<16xi32>
        %masked_sort3A_87 = arith.constant dense<true> : vector<16xi1>
        %masked_sort3A_88, %masked_sort3A_89, %masked_sort3A_90 = tpu.sort %select_n3A, %select_n3A_86 masked %masked_sort3A_87 : (vector<16xf32>, vector<16xi32>, vector<16xi1>) -> (vector<16xi1>, vector<16xf32>, vector<16xi32>)
        %broadcast_in_dim3A_91 = arith.constant 11 : i32
        %broadcast_in_dim3A_92 = vector.broadcast %broadcast_in_dim3A_91 : i32 to vector<16x1xi32>
        %gather3A = vector.shape_cast %broadcast_in_dim3A_92 : vector<16x1xi32> to vector<16xi32>
        %gather3A_93 = tpu.dynamic_gather %masked_sort3A_89[%gather3A] in [0] : vector<16xf32>, vector<16xi32> -> vector<16xf32>
        %add3A_94 = arith.constant 16 : i32
        %add3A_95 = vector.broadcast %add3A_94 : i32 to vector<16xi32>
        %add3A_96 = arith.addi %add3A_69, %add3A_95 : vector<16xi32>
        %masked_sort3A_97 = arith.constant dense<true> : vector<16xi1>
        %masked_sort3A_98, %masked_sort3A_99, %masked_sort3A_100 = tpu.sort %get3A_55, %add3A_96 masked %masked_sort3A_97 {descending = true} : (vector<16xf32>, vector<16xi32>, vector<16xi1>) -> (vector<16xi1>, vector<16xf32>, vector<16xi32>)
        %ge3A_101 = arith.cmpf oge, %masked_sort3A_99, %masked_sort3A_89 : vector<16xf32>
        %select_n3A_102 = arith.select %ge3A_101, %masked_sort3A_99, %masked_sort3A_89 : vector<16xi1>, vector<16xf32>
        %select_n3A_103 = arith.select %ge3A_101, %masked_sort3A_100, %masked_sort3A_90 : vector<16xi1>, vector<16xi32>
        %masked_sort3A_104 = arith.constant dense<true> : vector<16xi1>
        %masked_sort3A_105, %masked_sort3A_106, %masked_sort3A_107 = tpu.sort %select_n3A_102, %select_n3A_103 masked %masked_sort3A_104 : (vector<16xf32>, vector<16xi32>, vector<16xi1>) -> (vector<16xi1>, vector<16xf32>, vector<16xi32>)
        %broadcast_in_dim3A_108 = arith.constant 11 : i32
        %broadcast_in_dim3A_109 = vector.broadcast %broadcast_in_dim3A_108 : i32 to vector<16x1xi32>
        %gather3A_110 = vector.shape_cast %broadcast_in_dim3A_109 : vector<16x1xi32> to vector<16xi32>
        %gather3A_111 = tpu.dynamic_gather %masked_sort3A_106[%gather3A_110] in [0] : vector<16xf32>, vector<16xi32> -> vector<16xf32>
        %add3A_112 = arith.constant 32 : i32
        %add3A_113 = vector.broadcast %add3A_112 : i32 to vector<16xi32>
        %add3A_114 = arith.addi %add3A_69, %add3A_113 : vector<16xi32>
        %masked_sort3A_115 = arith.constant dense<true> : vector<16xi1>
        %masked_sort3A_116, %masked_sort3A_117, %masked_sort3A_118 = tpu.sort %get3A_59, %add3A_114 masked %masked_sort3A_115 {descending = true} : (vector<16xf32>, vector<16xi32>, vector<16xi1>) -> (vector<16xi1>, vector<16xf32>, vector<16xi32>)
        %ge3A_119 = arith.cmpf oge, %masked_sort3A_117, %masked_sort3A_106 : vector<16xf32>
        %select_n3A_120 = arith.select %ge3A_119, %masked_sort3A_117, %masked_sort3A_106 : vector<16xi1>, vector<16xf32>
        %select_n3A_121 = arith.select %ge3A_119, %masked_sort3A_118, %masked_sort3A_107 : vector<16xi1>, vector<16xi32>
        %masked_sort3A_122 = arith.constant dense<true> : vector<16xi1>
        %masked_sort3A_123, %masked_sort3A_124, %masked_sort3A_125 = tpu.sort %select_n3A_120, %select_n3A_121 masked %masked_sort3A_122 : (vector<16xf32>, vector<16xi32>, vector<16xi1>) -> (vector<16xi1>, vector<16xf32>, vector<16xi32>)
        %broadcast_in_dim3A_126 = arith.constant 11 : i32
        %broadcast_in_dim3A_127 = vector.broadcast %broadcast_in_dim3A_126 : i32 to vector<16x1xi32>
        %gather3A_128 = vector.shape_cast %broadcast_in_dim3A_127 : vector<16x1xi32> to vector<16xi32>
        %gather3A_129 = tpu.dynamic_gather %masked_sort3A_124[%gather3A_128] in [0] : vector<16xf32>, vector<16xi32> -> vector<16xf32>
        %add3A_130 = arith.constant 48 : i32
        %add3A_131 = vector.broadcast %add3A_130 : i32 to vector<16xi32>
        %add3A_132 = arith.addi %add3A_69, %add3A_131 : vector<16xi32>
        %masked_sort3A_133 = arith.constant dense<true> : vector<16xi1>
        %masked_sort3A_134, %masked_sort3A_135, %masked_sort3A_136 = tpu.sort %get3A_63, %add3A_132 masked %masked_sort3A_133 {descending = true} : (vector<16xf32>, vector<16xi32>, vector<16xi1>) -> (vector<16xi1>, vector<16xf32>, vector<16xi32>)
        %ge3A_137 = arith.cmpf oge, %masked_sort3A_135, %masked_sort3A_124 : vector<16xf32>
        %select_n3A_138 = arith.select %ge3A_137, %masked_sort3A_135, %masked_sort3A_124 : vector<16xi1>, vector<16xf32>
        %select_n3A_139 = arith.select %ge3A_137, %masked_sort3A_136, %masked_sort3A_125 : vector<16xi1>, vector<16xi32>
        %masked_sort3A_140 = arith.constant dense<true> : vector<16xi1>
        %masked_sort3A_141, %masked_sort3A_142, %masked_sort3A_143 = tpu.sort %select_n3A_138, %select_n3A_139 masked %masked_sort3A_140 : (vector<16xf32>, vector<16xi32>, vector<16xi1>) -> (vector<16xi1>, vector<16xf32>, vector<16xi32>)
        %broadcast_in_dim3A_144 = arith.constant 11 : i32
        %broadcast_in_dim3A_145 = vector.broadcast %broadcast_in_dim3A_144 : i32 to vector<16x1xi32>
        %gather3A_146 = vector.shape_cast %broadcast_in_dim3A_145 : vector<16x1xi32> to vector<16xi32>
        %gather3A_147 = tpu.dynamic_gather %masked_sort3A_142[%gather3A_146] in [0] : vector<16xf32>, vector<16xi32> -> vector<16xf32>
        scf.yield %masked_sort3A_142, %masked_sort3A_143, %gather3A_147 : vector<16xf32>, vector<16xi32>, vector<16xf32>
      } else {
        scf.yield %cond3A_43#0, %cond3A_43#1, %cond3A_43#2 : vector<16xf32>, vector<16xi32>, vector<16xf32>
      }
      scf.yield %cond3A_79#0, %cond3A_79#1, %cond3A_79#2 : vector<16xf32>, vector<16xi32>, vector<16xf32>
    }
    %scan3A_10 = arith.constant 496 : i32
    %swap3A = arith.constant 0 : index
    %swap3A_11 = tpu.vector_load %arg6[%swap3A] {strides = array<i32>} : memref<16xf32, #tpu.memory_space<vmem>>, vector<16xf32>,
    tpu.vector_store %arg6[%swap3A], %scan3A_9#0 {strides = array<i32>} : memref<16xf32, #tpu.memory_space<vmem>>, vector<16xf32>,
    %swap3A_12 = arith.constant 0 : index
    %swap3A_13 = tpu.vector_load %arg7[%swap3A_12] {strides = array<i32>} : memref<16xi32, #tpu.memory_space<vmem>>, vector<16xi32>,
    tpu.vector_store %arg7[%swap3A_12], %scan3A_9#1 {strides = array<i32>} : memref<16xi32, #tpu.memory_space<vmem>>, vector<16xi32>,
    "tpu.region"() ({
      %run_scoped3A = tpu.sem_alloc : memref<!tpu.dma_semaphore, #tpu.memory_space<semaphore_mem>>
      %dma_start3A = arith.constant 0 : i32
      %dma_start3A_14 = tpu.memref_slice %arg3[%add3A, %dma_start3A] : memref<32x16xf32, #tpu.memory_space<hbm>> -> memref<1x16xf32, #tpu.memory_space<hbm>>
      %dma_start3A_15 = tpu.memref_squeeze %dma_start3A_14 : memref<1x16xf32, #tpu.memory_space<hbm>> -> memref<16xf32, #tpu.memory_space<hbm>>
      %dma_start3A_16 = arith.constant 0 : i32
      %dma_start3A_17 = tpu.memref_slice %arg3[%add3A, %dma_start3A_16] : memref<32x16xf32, #tpu.memory_space<hbm>> -> memref<1x16xf32, #tpu.memory_space<hbm>>
      %dma_start3A_18 = tpu.memref_squeeze %dma_start3A_17 : memref<1x16xf32, #tpu.memory_space<hbm>> -> memref<16xf32, #tpu.memory_space<hbm>>
      tpu.enqueue_dma source(%arg6 : memref<16xf32, #tpu.memory_space<vmem>>) target(%dma_start3A_18 : memref<16xf32, #tpu.memory_space<hbm>>) target_semaphore(%run_scoped3A : memref<!tpu.dma_semaphore, #tpu.memory_space<semaphore_mem>>)
      %dma_wait3A = arith.constant 0 : i32
      %dma_wait3A_19 = tpu.memref_slice %arg3[%add3A, %dma_wait3A] : memref<32x16xf32, #tpu.memory_space<hbm>> -> memref<1x16xf32, #tpu.memory_space<hbm>>
      %dma_wait3A_20 = tpu.memref_squeeze %dma_wait3A_19 : memref<1x16xf32, #tpu.memory_space<hbm>> -> memref<16xf32, #tpu.memory_space<hbm>>
      %dma_wait3A_21 = arith.constant 0 : i32
      %dma_wait3A_22 = tpu.memref_slice %arg3[%add3A, %dma_wait3A_21] : memref<32x16xf32, #tpu.memory_space<hbm>> -> memref<1x16xf32, #tpu.memory_space<hbm>>
      %dma_wait3A_23 = tpu.memref_squeeze %dma_wait3A_22 : memref<1x16xf32, #tpu.memory_space<hbm>> -> memref<16xf32, #tpu.memory_space<hbm>>
      tpu.wait_dma2 semaphore(%run_scoped3A : memref<!tpu.dma_semaphore, #tpu.memory_space<semaphore_mem>>) src(%arg6 : memref<16xf32, #tpu.memory_space<vmem>>) dst(%dma_wait3A_23 : memref<16xf32, #tpu.memory_space<hbm>>)
      tpu.yield
    }) : () -> ()
    "tpu.region"() ({
      %run_scoped3A = tpu.sem_alloc : memref<!tpu.dma_semaphore, #tpu.memory_space<semaphore_mem>>
      %dma_start3A = arith.constant 0 : i32
      %dma_start3A_14 = tpu.memref_slice %arg4[%add3A, %dma_start3A] : memref<32x16xi32, #tpu.memory_space<hbm>> -> memref<1x16xi32, #tpu.memory_space<hbm>>
      %dma_start3A_15 = tpu.memref_squeeze %dma_start3A_14 : memref<1x16xi32, #tpu.memory_space<hbm>> -> memref<16xi32, #tpu.memory_space<hbm>>
      %dma_start3A_16 = arith.constant 0 : i32
      %dma_start3A_17 = tpu.memref_slice %arg4[%add3A, %dma_start3A_16] : memref<32x16xi32, #tpu.memory_space<hbm>> -> memref<1x16xi32, #tpu.memory_space<hbm>>
      %dma_start3A_18 = tpu.memref_squeeze %dma_start3A_17 : memref<1x16xi32, #tpu.memory_space<hbm>> -> memref<16xi32, #tpu.memory_space<hbm>>
      tpu.enqueue_dma source(%arg7 : memref<16xi32, #tpu.memory_space<vmem>>) target(%dma_start3A_18 : memref<16xi32, #tpu.memory_space<hbm>>) target_semaphore(%run_scoped3A : memref<!tpu.dma_semaphore, #tpu.memory_space<semaphore_mem>>)
      %dma_wait3A = arith.constant 0 : i32
      %dma_wait3A_19 = tpu.memref_slice %arg4[%add3A, %dma_wait3A] : memref<32x16xi32, #tpu.memory_space<hbm>> -> memref<1x16xi32, #tpu.memory_space<hbm>>
      %dma_wait3A_20 = tpu.memref_squeeze %dma_wait3A_19 : memref<1x16xi32, #tpu.memory_space<hbm>> -> memref<16xi32, #tpu.memory_space<hbm>>
      %dma_wait3A_21 = arith.constant 0 : i32
      %dma_wait3A_22 = tpu.memref_slice %arg4[%add3A, %dma_wait3A_21] : memref<32x16xi32, #tpu.memory_space<hbm>> -> memref<1x16xi32, #tpu.memory_space<hbm>>
      %dma_wait3A_23 = tpu.memref_squeeze %dma_wait3A_22 : memref<1x16xi32, #tpu.memory_space<hbm>> -> memref<16xi32, #tpu.memory_space<hbm>>
      tpu.wait_dma2 semaphore(%run_scoped3A : memref<!tpu.dma_semaphore, #tpu.memory_space<semaphore_mem>>) src(%arg7 : memref<16xi32, #tpu.memory_space<vmem>>) dst(%dma_wait3A_23 : memref<16xi32, #tpu.memory_space<hbm>>)
      tpu.yield
    }) : () -> ()
    return
  }
}

module attributes {stable_mosaic.version = 14 : i64} {
  func.func @_select_body(%arg0: memref<32x16xf32, #tpu.memory_space<vmem>>, %arg1: memref<32x16xi32, #tpu.memory_space<vmem>>, %arg2: memref<1x8xi32, #tpu.memory_space<vmem>>) attributes {dimension_semantics = [], scalar_prefetch = 0 : i64, scratch_operands = 0 : i64, tpu.core_type = #tpu.core_type<tc>} {
    %get3A = arith.constant 0 : index
    %get3A_0 = arith.constant 0 : index
    %get3A_1 = vector.load %arg0[%get3A, %get3A_0] : memref<32x16xf32, #tpu.memory_space<vmem>>, vector<32x16xf32>
    %get3A_2 = arith.constant 0 : index
    %get3A_3 = arith.constant 0 : index
    %get3A_4 = vector.load %arg1[%get3A_2, %get3A_3] : memref<32x16xi32, #tpu.memory_space<vmem>>, vector<32x16xi32>
    %iota3A = tpu.iota {dimensions = array<i32: 1>} : vector<1x8xi32>
    %broadcast_in_dim3A = arith.constant 0 : i32
    %broadcast_in_dim3A_5 = vector.broadcast %broadcast_in_dim3A : i32 to vector<1x8xi32>
    %reduce_max3A = vector.shape_cast %get3A_1 : vector<32x16xf32> to vector<1x32x16xf32>
    %reduce_max3A_6 = arith.constant dense<0xFF800000> : vector<1xf32>
    %reduce_max3A_7 = vector.multi_reduction <maximumf>, %reduce_max3A, %reduce_max3A_6 [1, 2] : vector<1x32x16xf32> to vector<1xf32>
    %reduce_max3A_8 = vector.shape_cast %reduce_max3A_7 : vector<1xf32> to vector<1x1x1xf32>
    %reduce_max3A_9 = vector.extract %reduce_max3A_8[0, 0, 0] : f32 from vector<1x1x1xf32>
    %ge3A = vector.broadcast %reduce_max3A_9 : f32 to vector<32x16xf32>
    %ge3A_10 = arith.cmpf oge, %get3A_1, %ge3A : vector<32x16xf32>
    %jit3A = arith.constant 1073741824 : i32
    %broadcast_in_dim3A_11 = vector.broadcast %jit3A : i32 to vector<32x16xi32>
    %select_n3A = arith.select %ge3A_10, %get3A_4, %broadcast_in_dim3A_11 : vector<32x16xi1>, vector<32x16xi32>
    %reduce_min3A = vector.shape_cast %select_n3A : vector<32x16xi32> to vector<1x32x16xi32>
    %reduce_min3A_12 = arith.constant dense<2147483647> : vector<1xi32>
    %reduce_min3A_13 = vector.multi_reduction <minsi>, %reduce_min3A, %reduce_min3A_12 [1, 2] : vector<1x32x16xi32> to vector<1xi32>
    %reduce_min3A_14 = vector.shape_cast %reduce_min3A_13 : vector<1xi32> to vector<1x1x1xi32>
    %reduce_min3A_15 = vector.extract %reduce_min3A_14[0, 0, 0] : i32 from vector<1x1x1xi32>
    %eq3A = arith.constant 0 : i32
    %eq3A_16 = vector.broadcast %eq3A : i32 to vector<1x8xi32>
    %eq3A_17 = arith.cmpi eq, %iota3A, %eq3A_16 : vector<1x8xi32>
    %broadcast_in_dim3A_18 = vector.broadcast %reduce_min3A_15 : i32 to vector<1x8xi32>
    %select_n3A_19 = arith.select %eq3A_17, %broadcast_in_dim3A_18, %broadcast_in_dim3A_5 : vector<1x8xi1>, vector<1x8xi32>
    %eq3A_20 = vector.broadcast %reduce_min3A_15 : i32 to vector<32x16xi32>
    %eq3A_21 = arith.cmpi eq, %get3A_4, %eq3A_20 : vector<32x16xi32>
    %and3A = arith.andi %ge3A_10, %eq3A_21 : vector<32x16xi1>
    %jit3A_22 = arith.constant 0xFF800000 : f32
    %broadcast_in_dim3A_23 = vector.broadcast %jit3A_22 : f32 to vector<32x16xf32>
    %select_n3A_24 = arith.select %and3A, %broadcast_in_dim3A_23, %get3A_1 : vector<32x16xi1>, vector<32x16xf32>
    %reduce_max3A_25 = vector.shape_cast %select_n3A_24 : vector<32x16xf32> to vector<1x32x16xf32>
    %reduce_max3A_26 = arith.constant dense<0xFF800000> : vector<1xf32>
    %reduce_max3A_27 = vector.multi_reduction <maximumf>, %reduce_max3A_25, %reduce_max3A_26 [1, 2] : vector<1x32x16xf32> to vector<1xf32>
    %reduce_max3A_28 = vector.shape_cast %reduce_max3A_27 : vector<1xf32> to vector<1x1x1xf32>
    %reduce_max3A_29 = vector.extract %reduce_max3A_28[0, 0, 0] : f32 from vector<1x1x1xf32>
    %ge3A_30 = vector.broadcast %reduce_max3A_29 : f32 to vector<32x16xf32>
    %ge3A_31 = arith.cmpf oge, %select_n3A_24, %ge3A_30 : vector<32x16xf32>
    %jit3A_32 = arith.constant 1073741824 : i32
    %broadcast_in_dim3A_33 = vector.broadcast %jit3A_32 : i32 to vector<32x16xi32>
    %select_n3A_34 = arith.select %ge3A_31, %get3A_4, %broadcast_in_dim3A_33 : vector<32x16xi1>, vector<32x16xi32>
    %reduce_min3A_35 = vector.shape_cast %select_n3A_34 : vector<32x16xi32> to vector<1x32x16xi32>
    %reduce_min3A_36 = arith.constant dense<2147483647> : vector<1xi32>
    %reduce_min3A_37 = vector.multi_reduction <minsi>, %reduce_min3A_35, %reduce_min3A_36 [1, 2] : vector<1x32x16xi32> to vector<1xi32>
    %reduce_min3A_38 = vector.shape_cast %reduce_min3A_37 : vector<1xi32> to vector<1x1x1xi32>
    %reduce_min3A_39 = vector.extract %reduce_min3A_38[0, 0, 0] : i32 from vector<1x1x1xi32>
    %eq3A_40 = arith.constant 1 : i32
    %eq3A_41 = vector.broadcast %eq3A_40 : i32 to vector<1x8xi32>
    %eq3A_42 = arith.cmpi eq, %iota3A, %eq3A_41 : vector<1x8xi32>
    %broadcast_in_dim3A_43 = vector.broadcast %reduce_min3A_39 : i32 to vector<1x8xi32>
    %select_n3A_44 = arith.select %eq3A_42, %broadcast_in_dim3A_43, %select_n3A_19 : vector<1x8xi1>, vector<1x8xi32>
    %eq3A_45 = vector.broadcast %reduce_min3A_39 : i32 to vector<32x16xi32>
    %eq3A_46 = arith.cmpi eq, %get3A_4, %eq3A_45 : vector<32x16xi32>
    %and3A_47 = arith.andi %ge3A_31, %eq3A_46 : vector<32x16xi1>
    %jit3A_48 = arith.constant 0xFF800000 : f32
    %broadcast_in_dim3A_49 = vector.broadcast %jit3A_48 : f32 to vector<32x16xf32>
    %select_n3A_50 = arith.select %and3A_47, %broadcast_in_dim3A_49, %select_n3A_24 : vector<32x16xi1>, vector<32x16xf32>
    %reduce_max3A_51 = vector.shape_cast %select_n3A_50 : vector<32x16xf32> to vector<1x32x16xf32>
    %reduce_max3A_52 = arith.constant dense<0xFF800000> : vector<1xf32>
    %reduce_max3A_53 = vector.multi_reduction <maximumf>, %reduce_max3A_51, %reduce_max3A_52 [1, 2] : vector<1x32x16xf32> to vector<1xf32>
    %reduce_max3A_54 = vector.shape_cast %reduce_max3A_53 : vector<1xf32> to vector<1x1x1xf32>
    %reduce_max3A_55 = vector.extract %reduce_max3A_54[0, 0, 0] : f32 from vector<1x1x1xf32>
    %ge3A_56 = vector.broadcast %reduce_max3A_55 : f32 to vector<32x16xf32>
    %ge3A_57 = arith.cmpf oge, %select_n3A_50, %ge3A_56 : vector<32x16xf32>
    %jit3A_58 = arith.constant 1073741824 : i32
    %broadcast_in_dim3A_59 = vector.broadcast %jit3A_58 : i32 to vector<32x16xi32>
    %select_n3A_60 = arith.select %ge3A_57, %get3A_4, %broadcast_in_dim3A_59 : vector<32x16xi1>, vector<32x16xi32>
    %reduce_min3A_61 = vector.shape_cast %select_n3A_60 : vector<32x16xi32> to vector<1x32x16xi32>
    %reduce_min3A_62 = arith.constant dense<2147483647> : vector<1xi32>
    %reduce_min3A_63 = vector.multi_reduction <minsi>, %reduce_min3A_61, %reduce_min3A_62 [1, 2] : vector<1x32x16xi32> to vector<1xi32>
    %reduce_min3A_64 = vector.shape_cast %reduce_min3A_63 : vector<1xi32> to vector<1x1x1xi32>
    %reduce_min3A_65 = vector.extract %reduce_min3A_64[0, 0, 0] : i32 from vector<1x1x1xi32>
    %eq3A_66 = arith.constant 2 : i32
    %eq3A_67 = vector.broadcast %eq3A_66 : i32 to vector<1x8xi32>
    %eq3A_68 = arith.cmpi eq, %iota3A, %eq3A_67 : vector<1x8xi32>
    %broadcast_in_dim3A_69 = vector.broadcast %reduce_min3A_65 : i32 to vector<1x8xi32>
    %select_n3A_70 = arith.select %eq3A_68, %broadcast_in_dim3A_69, %select_n3A_44 : vector<1x8xi1>, vector<1x8xi32>
    %eq3A_71 = vector.broadcast %reduce_min3A_65 : i32 to vector<32x16xi32>
    %eq3A_72 = arith.cmpi eq, %get3A_4, %eq3A_71 : vector<32x16xi32>
    %and3A_73 = arith.andi %ge3A_57, %eq3A_72 : vector<32x16xi1>
    %jit3A_74 = arith.constant 0xFF800000 : f32
    %broadcast_in_dim3A_75 = vector.broadcast %jit3A_74 : f32 to vector<32x16xf32>
    %select_n3A_76 = arith.select %and3A_73, %broadcast_in_dim3A_75, %select_n3A_50 : vector<32x16xi1>, vector<32x16xf32>
    %reduce_max3A_77 = vector.shape_cast %select_n3A_76 : vector<32x16xf32> to vector<1x32x16xf32>
    %reduce_max3A_78 = arith.constant dense<0xFF800000> : vector<1xf32>
    %reduce_max3A_79 = vector.multi_reduction <maximumf>, %reduce_max3A_77, %reduce_max3A_78 [1, 2] : vector<1x32x16xf32> to vector<1xf32>
    %reduce_max3A_80 = vector.shape_cast %reduce_max3A_79 : vector<1xf32> to vector<1x1x1xf32>
    %reduce_max3A_81 = vector.extract %reduce_max3A_80[0, 0, 0] : f32 from vector<1x1x1xf32>
    %ge3A_82 = vector.broadcast %reduce_max3A_81 : f32 to vector<32x16xf32>
    %ge3A_83 = arith.cmpf oge, %select_n3A_76, %ge3A_82 : vector<32x16xf32>
    %jit3A_84 = arith.constant 1073741824 : i32
    %broadcast_in_dim3A_85 = vector.broadcast %jit3A_84 : i32 to vector<32x16xi32>
    %select_n3A_86 = arith.select %ge3A_83, %get3A_4, %broadcast_in_dim3A_85 : vector<32x16xi1>, vector<32x16xi32>
    %reduce_min3A_87 = vector.shape_cast %select_n3A_86 : vector<32x16xi32> to vector<1x32x16xi32>
    %reduce_min3A_88 = arith.constant dense<2147483647> : vector<1xi32>
    %reduce_min3A_89 = vector.multi_reduction <minsi>, %reduce_min3A_87, %reduce_min3A_88 [1, 2] : vector<1x32x16xi32> to vector<1xi32>
    %reduce_min3A_90 = vector.shape_cast %reduce_min3A_89 : vector<1xi32> to vector<1x1x1xi32>
    %reduce_min3A_91 = vector.extract %reduce_min3A_90[0, 0, 0] : i32 from vector<1x1x1xi32>
    %eq3A_92 = arith.constant 3 : i32
    %eq3A_93 = vector.broadcast %eq3A_92 : i32 to vector<1x8xi32>
    %eq3A_94 = arith.cmpi eq, %iota3A, %eq3A_93 : vector<1x8xi32>
    %broadcast_in_dim3A_95 = vector.broadcast %reduce_min3A_91 : i32 to vector<1x8xi32>
    %select_n3A_96 = arith.select %eq3A_94, %broadcast_in_dim3A_95, %select_n3A_70 : vector<1x8xi1>, vector<1x8xi32>
    %eq3A_97 = vector.broadcast %reduce_min3A_91 : i32 to vector<32x16xi32>
    %eq3A_98 = arith.cmpi eq, %get3A_4, %eq3A_97 : vector<32x16xi32>
    %and3A_99 = arith.andi %ge3A_83, %eq3A_98 : vector<32x16xi1>
    %jit3A_100 = arith.constant 0xFF800000 : f32
    %broadcast_in_dim3A_101 = vector.broadcast %jit3A_100 : f32 to vector<32x16xf32>
    %select_n3A_102 = arith.select %and3A_99, %broadcast_in_dim3A_101, %select_n3A_76 : vector<32x16xi1>, vector<32x16xf32>
    %reduce_max3A_103 = vector.shape_cast %select_n3A_102 : vector<32x16xf32> to vector<1x32x16xf32>
    %reduce_max3A_104 = arith.constant dense<0xFF800000> : vector<1xf32>
    %reduce_max3A_105 = vector.multi_reduction <maximumf>, %reduce_max3A_103, %reduce_max3A_104 [1, 2] : vector<1x32x16xf32> to vector<1xf32>
    %reduce_max3A_106 = vector.shape_cast %reduce_max3A_105 : vector<1xf32> to vector<1x1x1xf32>
    %reduce_max3A_107 = vector.extract %reduce_max3A_106[0, 0, 0] : f32 from vector<1x1x1xf32>
    %ge3A_108 = vector.broadcast %reduce_max3A_107 : f32 to vector<32x16xf32>
    %ge3A_109 = arith.cmpf oge, %select_n3A_102, %ge3A_108 : vector<32x16xf32>
    %jit3A_110 = arith.constant 1073741824 : i32
    %broadcast_in_dim3A_111 = vector.broadcast %jit3A_110 : i32 to vector<32x16xi32>
    %select_n3A_112 = arith.select %ge3A_109, %get3A_4, %broadcast_in_dim3A_111 : vector<32x16xi1>, vector<32x16xi32>
    %reduce_min3A_113 = vector.shape_cast %select_n3A_112 : vector<32x16xi32> to vector<1x32x16xi32>
    %reduce_min3A_114 = arith.constant dense<2147483647> : vector<1xi32>
    %reduce_min3A_115 = vector.multi_reduction <minsi>, %reduce_min3A_113, %reduce_min3A_114 [1, 2] : vector<1x32x16xi32> to vector<1xi32>
    %reduce_min3A_116 = vector.shape_cast %reduce_min3A_115 : vector<1xi32> to vector<1x1x1xi32>
    %reduce_min3A_117 = vector.extract %reduce_min3A_116[0, 0, 0] : i32 from vector<1x1x1xi32>
    %eq3A_118 = arith.constant 4 : i32
    %eq3A_119 = vector.broadcast %eq3A_118 : i32 to vector<1x8xi32>
    %eq3A_120 = arith.cmpi eq, %iota3A, %eq3A_119 : vector<1x8xi32>
    %broadcast_in_dim3A_121 = vector.broadcast %reduce_min3A_117 : i32 to vector<1x8xi32>
    %select_n3A_122 = arith.select %eq3A_120, %broadcast_in_dim3A_121, %select_n3A_96 : vector<1x8xi1>, vector<1x8xi32>
    %swap3A = arith.constant 0 : index
    %swap3A_123 = arith.constant 0 : index
    %swap3A_124 = vector.load %arg2[%swap3A, %swap3A_123] : memref<1x8xi32, #tpu.memory_space<vmem>>, vector<1x8xi32>
    tpu.vector_store %arg2[%swap3A, %swap3A_123], %select_n3A_122 {strides = array<i32>} : memref<1x8xi32, #tpu.memory_space<vmem>>, vector<1x8xi32>,
    return
  }
}

module attributes {stable_mosaic.version = 14 : i64} {
  func.func @_scores_body(%arg0: i32, %arg1: memref<64x32768xf32, #tpu.memory_space<vmem>>, %arg2: memref<64x1xf32, #tpu.memory_space<vmem>>, %arg3: memref<1x1x32768xf32, #tpu.memory_space<vmem>>) attributes {dimension_semantics = [#tpu.dimension_semantics<arbitrary>], iteration_bounds = array<i64: 31>, scalar_prefetch = 0 : i64, scratch_operands = 0 : i64, tpu.core_type = #tpu.core_type<tc>, window_params = [{transform_indices = @transform_0, window_bounds = array<i64: 64, 32768>}, {pipeline_mode = #tpu.pipeline_mode<synchronous>, transform_indices = @transform_1, window_bounds = array<i64: 64, 1>}, {transform_indices = @transform_2, window_bounds = array<i64: 1, 1, 32768>}]} {
    %get3A = arith.constant 0 : index
    %get3A_0 = arith.constant 0 : index
    %get3A_1 = vector.load %arg1[%get3A, %get3A_0] : memref<64x32768xf32, #tpu.memory_space<vmem>>, vector<64x32768xf32>
    %get3A_2 = arith.constant 0 : index
    %get3A_3 = arith.constant 0 : index
    %get3A_4 = vector.load %arg2[%get3A_2, %get3A_3] : memref<64x1xf32, #tpu.memory_space<vmem>>, vector<64x1xf32>
    %mul3A = vector.broadcast %get3A_4 : vector<64x1xf32> to vector<64x32768xf32>
    %mul3A_5 = arith.mulf %get3A_1, %mul3A : vector<64x32768xf32>
    %reduce_sum3A = arith.constant dense<0.000000e+00> : vector<32768xf32>
    %reduce_sum3A_6 = vector.multi_reduction <add>, %mul3A_5, %reduce_sum3A [0] : vector<64x32768xf32> to vector<32768xf32>
    %broadcast_in_dim3A = vector.shape_cast %reduce_sum3A_6 : vector<32768xf32> to vector<1x32768xf32>
    %mul3A_7 = arith.mulf %get3A_1, %get3A_1 : vector<64x32768xf32>
    %reduce_sum3A_8 = arith.constant dense<0.000000e+00> : vector<32768xf32>
    %reduce_sum3A_9 = vector.multi_reduction <add>, %mul3A_7, %reduce_sum3A_8 [0] : vector<64x32768xf32> to vector<32768xf32>
    %broadcast_in_dim3A_10 = vector.shape_cast %reduce_sum3A_9 : vector<32768xf32> to vector<1x32768xf32>
    %sqrt3A = math.sqrt %broadcast_in_dim3A_10 : vector<1x32768xf32>
    %max3A = arith.constant 9.99999993E-9 : f32
    %max3A_11 = vector.broadcast %max3A : f32 to vector<1x32768xf32>
    %max3A_12 = arith.maximumf %sqrt3A, %max3A_11 : vector<1x32768xf32>
    %div3A = arith.divf %broadcast_in_dim3A, %max3A_12 : vector<1x32768xf32>
    %iota3A = tpu.iota {dimensions = array<i32: 1>} : vector<1x32768xi32>
    %mul3A_13 = arith.constant 32768 : i32
    %mul3A_14 = arith.muli %arg0, %mul3A_13 : i32
    %add3A = vector.broadcast %mul3A_14 : i32 to vector<1x32768xi32>
    %add3A_15 = arith.addi %add3A, %iota3A : vector<1x32768xi32>
    %lt3A = arith.constant 1000000 : i32
    %lt3A_16 = vector.broadcast %lt3A : i32 to vector<1x32768xi32>
    %lt3A_17 = arith.cmpi slt, %add3A_15, %lt3A_16 : vector<1x32768xi32>
    %jit3A = arith.constant 0xFF800000 : f32
    %broadcast_in_dim3A_18 = vector.broadcast %jit3A : f32 to vector<1x32768xf32>
    %select_n3A = arith.select %lt3A_17, %div3A, %broadcast_in_dim3A_18 : vector<1x32768xi1>, vector<1x32768xf32>
    %swap3A = arith.constant 0 : index
    %swap3A_19 = arith.constant 0 : index
    %swap3A_20 = arith.constant 0 : index
    %swap3A_21 = vector.load %arg3[%swap3A, %swap3A_19, %swap3A_20] : memref<1x1x32768xf32, #tpu.memory_space<vmem>>, vector<1x1x32768xf32>
    %swap3A_22 = vector.shape_cast %swap3A_21 : vector<1x1x32768xf32> to vector<1x32768xf32>
    %swap3A_23 = vector.shape_cast %select_n3A : vector<1x32768xf32> to vector<1x1x32768xf32>
    tpu.vector_store %arg3[%swap3A, %swap3A_19, %swap3A_20], %swap3A_23 {strides = array<i32>} : memref<1x1x32768xf32, #tpu.memory_space<vmem>>, vector<1x1x32768xf32>,
    return
  }
  func.func @transform_0(%arg0: i32) -> (i32, i32) {
    %c0_i32 = arith.constant 0 : i32
    %c0_i32_0 = arith.constant 0 : i32
    return %c0_i32, %arg0 : i32, i32
  }
  func.func @transform_1(%arg0: i32) -> (i32, i32) {
    %c0_i32 = arith.constant 0 : i32
    %c0_i32_0 = arith.constant 0 : i32
    %c0_i32_1 = arith.constant 0 : i32
    return %c0_i32, %c0_i32_0 : i32, i32
  }
  func.func @transform_2(%arg0: i32) -> (i32, i32, i32) {
    %c0_i32 = arith.constant 0 : i32
    %c0_i32_0 = arith.constant 0 : i32
    %c0_i32_1 = arith.constant 0 : i32
    return %arg0, %c0_i32, %c0_i32_0 : i32, i32, i32
  }
}

module attributes {stable_mosaic.version = 14 : i64} {
  func.func @_fuse_body(%arg0: memref<5x64xf32, #tpu.memory_space<vmem>>, %arg1: memref<1x64xf32, #tpu.memory_space<vmem>>, %arg2: memref<1x64xf32, #tpu.memory_space<vmem>>, %arg3: memref<64x192xf32, #tpu.memory_space<vmem>>, %arg4: memref<1x64xf32, #tpu.memory_space<vmem>>, %arg5: memref<1x64xf32, #tpu.memory_space<vmem>>) attributes {dimension_semantics = [], scalar_prefetch = 0 : i64, scratch_operands = 0 : i64, tpu.core_type = #tpu.core_type<tc>} {
    %get3A = arith.constant 0 : index
    %get3A_0 = arith.constant 0 : index
    %get3A_1 = vector.load %arg0[%get3A, %get3A_0] : memref<5x64xf32, #tpu.memory_space<vmem>>, vector<5x64xf32>
    %reduce_sum3A = arith.constant dense<0.000000e+00> : vector<64xf32>
    %reduce_sum3A_2 = vector.multi_reduction <add>, %get3A_1, %reduce_sum3A [0] : vector<5x64xf32> to vector<64xf32>
    %broadcast_in_dim3A = vector.shape_cast %reduce_sum3A_2 : vector<64xf32> to vector<1x64xf32>
    %mul3A = arith.constant 2.000000e-01 : f32
    %mul3A_3 = vector.broadcast %mul3A : f32 to vector<1x64xf32>
    %mul3A_4 = arith.mulf %broadcast_in_dim3A, %mul3A_3 : vector<1x64xf32>
    %get3A_5 = arith.constant 0 : index
    %get3A_6 = arith.constant 0 : index
    %get3A_7 = vector.load %arg1[%get3A_5, %get3A_6] : memref<1x64xf32, #tpu.memory_space<vmem>>, vector<1x64xf32>
    %get3A_8 = arith.constant 0 : index
    %get3A_9 = arith.constant 0 : index
    %get3A_10 = vector.load %arg2[%get3A_8, %get3A_9] : memref<1x64xf32, #tpu.memory_space<vmem>>, vector<1x64xf32>
    %concatenate3A = tpu.concatenate %get3A_7, %get3A_10, %mul3A_4 in 1 : vector<1x64xf32>, vector<1x64xf32>, vector<1x64xf32> -> vector<1x192xf32>
    %get3A_11 = arith.constant 0 : index
    %get3A_12 = arith.constant 0 : index
    %get3A_13 = vector.load %arg3[%get3A_11, %get3A_12] : memref<64x192xf32, #tpu.memory_space<vmem>>, vector<64x192xf32>
    %dot_general3A = arith.constant dense<0.000000e+00> : vector<1x64xf32>
    %dot_general3A_14 = tpu.matmul %concatenate3A, %get3A_13, %dot_general3A {dimension_numbers = #tpu.dot_dimension_numbers<[1], [1], [0], [0], [0, 0, 1, 0], [], []>, precision = #tpu.contract_precision<fp32>, transpose_lhs_hint = false} : vector<1x192xf32>, vector<64x192xf32>, vector<1x64xf32> -> vector<1x64xf32>
    %get3A_15 = arith.constant 0 : index
    %get3A_16 = arith.constant 0 : index
    %get3A_17 = vector.load %arg4[%get3A_15, %get3A_16] : memref<1x64xf32, #tpu.memory_space<vmem>>, vector<1x64xf32>
    %add3A = arith.addf %dot_general3A_14, %get3A_17 : vector<1x64xf32>
    %swap3A = arith.constant 0 : index
    %swap3A_18 = arith.constant 0 : index
    %swap3A_19 = vector.load %arg5[%swap3A, %swap3A_18] : memref<1x64xf32, #tpu.memory_space<vmem>>, vector<1x64xf32>
    tpu.vector_store %arg5[%swap3A, %swap3A_18], %add3A {strides = array<i32>} : memref<1x64xf32, #tpu.memory_space<vmem>>, vector<1x64xf32>,
    return
  }
}

</mosaic_0001>

<sc_bundles>
// kernel: kernel.6.cloned.1.call-start
scs
__scs_entry_jumppad:
0x0: {  	(pc) =	sbr.rel $0x88, $3  }
0x1: {  	(tag) =	ssettag $0x0;
	lr =	simm.s32 $0x1  }
0x2: {  	[smem:$0x3F9A] =	sst lr;
	_ =	strace $0xD0000000  }
0x3: {  	_ = 	snop  }
0x4: {  	_ = 	snop  }
0x5: {  	_ = 	snop  }
0x6: {  	_ = 	snop  }
0x7: {  	_ = 	snop  }
__scs_overlays_trampoline_lowered:
0x8: {  	[smem:$0x3FA9] =	sst s0  }
0x9: {  	[smem:$0x3FAA] =	sst s1  }
0xa: {  	[smem:$0x3FAB] =	sst s2  }
0xb: {  	[smem:$0x3FAC] =	sst s3  }
0xc: {  	[smem:$0x3FAD] =	sst s4  }
0xd: {  	[smem:$0x3FAE] =	sst s5  }
0xe: {  	[smem:$0x3FAF] =	sst s6  }
0xf: {  	[smem:$0x3FB0] =	sst s7  }
0x10: {  	[smem:$0x3FB1] =	sst s8  }
0x11: {  	[smem:$0x3FB2] =	sst s9;
	s0 =	simm.s32 @!p0 $0x0  }
0x12: {  	s1 =	sld [smem:$0x3F98];
	s0 =	simm.s32 @p0 $0x1  }
0x13: {  	[smem:$0x3FB3] =	sst s0;
	s0 =	simm.s32 @!p1 $0x0  }
0x14: {  	s2 =	sld [smem:$0x3F97];
	s0 =	simm.s32 @p1 $0x1  }
0x15: {  	[smem:$0x3FB4] =	sst s0;
	s0 =	simm.s32 @!p2 $0x0  }
0x16: {  	s3 =	sld [smem:$0x3FDB];
	s0 =	simm.s32 @p2 $0x1  }
0x17: {  	s4 =	simm.s32 $0x1BF5;
	[smem:$0x3FB6] =	sst s0  }
0x18: {  	s0 =	sld [smem:$0x3F99];
	_ =	swait.ge [sflag:s4], $0x0  }
0x19: {  	s7 =	sld [smem:$0x3F9A]  }
0x1a: {  	s8 =	sadd.s32 $0xFFFFE003, lr  }
0x1b: {  	s9 =	sadd.s32 $0xFFFFFEF7, lr;
	s5 =	simm.s32 $0xFFFFFFFF;
	p2 =	slt.u32 s8, $0xFFFFF086  }
0x1c: {  	p1 =	slt.u32 s9, $0xF7A;
	s5 =	simm.s32 @!p2 $0x0  }
0x1d: {  	s5 =	simm.s32 @p1 $0x1;
	p0 =	seq.s32 s7, s2  }
0x1e: {  	s7 =	smul.u32 @!p0 $0xF7A, s2;
	p2 =	seq.s32 @!p0 s5, $0x0  }
0x1f: {  	s9 =	smul.u32 $0xF7A, s1;
	s8 =	simm.s32 @!p0 $0x1BF5;
	p2 =	por !p2, p0  }
0x20: {  	[sflag:s8] =	ssyncset.s32 @!p0 $0xFFFFF086;
	s6 =	sadd.s32 @!p0 s3, s7;
	s7 =	simm.s32 @!p0 $0x108  }
0x21: {  	s3 =	sadd.s32 s3, s9;
	s6 =	sadd.s32 @!p0 $0x88, s6;
	s7 =	simm.s32 @p2 $0x1082  }
0x22: {  	[simem:s7], [sflag:s8] =	dma.local @!p0 [hbm:s6], $0xF7A  }
0x23: {  	s9 =	sor.u32 $0xD0000000, s2;
	s6 =	simm.s32 $0x108;
	_ =	swait.ge @!p0 [sflag:s8], $0x0  }
0x24: {  	s3 =	sadd.s32 $0x88, s3;
	s6 =	simm.s32 @!p1 $0x1082;
	[sflag:s4] =	ssyncset.s32 $0xFFFFF086  }
0x25: {  	[simem:s6], [sflag:s4] =	dma.local [hbm:s3], $0xF7A  }
0x26: {  	[smem:$0x3F9A] =	sst s1;
	(tag) =	ssettag s2;
	_ =	strace s9  }
0x27: {  	s1 =	sld [smem:$0x3FAA]  }
0x28: {  	s2 =	sld [smem:$0x3FAB]  }
0x29: {  	s4 =	sld [smem:$0x3FAD]  }
0x2a: {  	p0 =	seq.s32 s5, $0x0;
	s5 =	sld [smem:$0x3FAE]  }
0x2b: {  	s6 =	sld [smem:$0x3FAF]  }
0x2c: {  	s7 =	sld [smem:$0x3FB0]  }
0x2d: {  	s3 =	simm.s32 $0x108;
	s8 =	sld [smem:$0x3FB1]  }
0x2e: {  	s3 =	simm.s32 @!p0 $0x1082;
	s9 =	sld [smem:$0x3FB2]  }
0x2f: {  	lr =	sadd.s32 s0, s3;
	s0 =	sld [smem:$0x3FA9]  }
0x30: {  	s3 =	sld [smem:$0x3FAC]  }
0x31: {  	[smem:$0x3FB5] =	sst s10  }
0x32: {  	s10 =	sld [smem:$0x3FB3];
	_ =	sdelay $0x3  }
0x33: {  	p0 =	seq.s32 s10, $0x1;
	s10 =	sld [smem:$0x3FB5];
	_ =	sdelay $0x3  }
0x34: {  	[smem:$0x3FB5] =	sst s10  }
0x35: {  	s10 =	sld [smem:$0x3FB4];
	_ =	sdelay $0x3  }
0x36: {  	p1 =	seq.s32 s10, $0x1;
	s10 =	sld [smem:$0x3FB5];
	_ =	sdelay $0x3  }
0x37: {  	[smem:$0x3FB5] =	sst s10  }
0x38: {  	s10 =	sld [smem:$0x3FB6]  }
0x39: {  	_ = 	snop;
	(pc) =	sbr.ind lr, $3  }
0x3a: {  	_ = 	snop  }
0x3b: {  	_ = 	snop  }
0x3c: {  	p2 =	seq.s32 s10, $0x1;
	s10 =	sld [smem:$0x3FB5]  }
0x3d: {  	_ =	shalt  }
0x3e: {  	_ =	shalt  }
0x3f: {  	_ =	shalt  }
0x40: {  	_ =	shalt  }
0x41: {  	_ =	shalt  }
0x42: {  	_ =	shalt  }
0x43: {  	_ =	shalt  }
0x44: {  	_ =	shalt  }
0x45: {  	_ =	shalt  }
0x46: {  	_ =	shalt  }
0x47: {  	_ =	shalt  }
0x48: {  	_ =	shalt  }
0x49: {  	_ =	shalt  }
0x4a: {  	_ =	shalt  }
0x4b: {  	_ =	shalt  }
0x4c: {  	_ =	shalt  }
0x4d: {  	_ =	shalt  }
0x4e: {  	_ =	shalt  }
0x4f: {  	_ =	shalt  }
0x50: {  	_ =	shalt  }
0x51: {  	_ =	shalt  }
0x52: {  	_ =	shalt  }
0x53: {  	_ =	shalt  }
0x54: {  	_ =	shalt  }
0x55: {  	_ =	shalt  }
0x56: {  	_ =	shalt  }
0x57: {  	_ =	shalt  }
0x58: {  	_ =	shalt  }
0x59: {  	_ =	shalt  }
0x5a: {  	_ =	shalt  }
0x5b: {  	_ =	shalt  }
0x5c: {  	_ =	shalt  }
0x5d: {  	_ =	shalt  }
0x5e: {  	_ =	shalt  }
0x5f: {  	_ =	shalt  }
0x60: {  	_ =	shalt  }
0x61: {  	_ =	shalt  }
0x62: {  	_ =	shalt  }
0x63: {  	_ =	shalt  }
0x64: {  	_ =	shalt  }
0x65: {  	_ =	shalt  }
0x66: {  	_ =	shalt  }
0x67: {  	_ =	shalt  }
0x68: {  	_ =	shalt  }
0x69: {  	_ =	shalt  }
0x6a: {  	_ =	shalt  }
0x6b: {  	_ =	shalt  }
0x6c: {  	_ =	shalt  }
0x6d: {  	_ =	shalt  }
0x6e: {  	_ =	shalt  }
0x6f: {  	_ =	shalt  }
0x70: {  	_ =	shalt  }
0x71: {  	_ =	shalt  }
0x72: {  	_ =	shalt  }
0x73: {  	_ =	shalt  }
0x74: {  	_ =	shalt  }
0x75: {  	_ =	shalt  }
0x76: {  	_ =	shalt  }
0x77: {  	_ =	shalt  }
0x78: {  	_ =	shalt  }
0x79: {  	_ =	shalt  }
0x7a: {  	_ =	shalt  }
0x7b: {  	_ =	shalt  }
0x7c: {  	_ =	shalt  }
0x7d: {  	_ =	shalt  }
0x7e: {  	_ =	shalt  }
0x7f: {  	_ =	shalt  }
0x80: {  	_ =	shalt  }
0x81: {  	_ =	shalt  }
0x82: {  	_ =	shalt  }
0x83: {  	_ =	shalt  }
0x84: {  	_ =	shalt  }
0x85: {  	_ =	shalt  }
0x86: {  	_ =	shalt  }
0x87: {  	_ =	shalt  }
.Lfunc_end0:
.L_simem_size_0:
called_computation_lowered:
.L_overlay_start_0:
0x88: {  	s2 =	sld [smem:$0x3FD9]  }
0x89: {  	s3 =	sld [smem:$0x3FFE];
	_ =	sdelay $0x1  }
0x8a: {  	s1 =	srdreg.scid  }
0x8b: {  	s0 =	sand.u32 $0x1, s1  }
0x8c: {  	s16 =	sshll.u32 s0, $0xA;
	s2 =	sadd.s32 s3, s2  }
0x8d: {  	s2 =	sadd.s32 s2, s16  }
0x8e: {  	[smem:$0x3FC1] =	sst s2  }
0x8f: {  	_ = 	snop  }
0x90: {  	(tm) =	ssettm $0x1  }
0x91: {  	s17 =	sld [smem:$0x3FFB];
	_ =	sdelay $0x3  }
0x92: {  	_ =	strace s17  }
0x93: {  	s2 =	sld [smem:$0x3FFC];
	_ =	sdelay $0x3  }
0x94: {  	_ =	strace s2  }
0x95: {  	s2 =	sld [smem:$0x3FFD];
	_ =	sdelay $0x3  }
0x96: {  	_ =	strace s2  }
0x97: {  	_ =	strace $0x8FFFFFFF  }
0x98: {  	s18 =	sld [smem:$0x3FDB];
	_ =	sdelay $0x1  }
0x99: {  	s19 =	simm.s32 $_scs_section_size  }
0x9a: {  	s4 =	simm.s32 $_size__tile_overlayer_lowered;
	s5 =	simm.s32 $_tile_overlayer_lowered  }
0x9b: {  	s22 =	simm.s32 $0x1BFF;
	s21 =	sshll.u32 s5, $0x1;
	s2 =	sadd.s32 s19, s18  }
0x9c: {  	s6 =	simm.s32 $0x0;
	s20 =	sshll.u32 s4, $0x1;
	s4 =	sadd.s32 s21, s2  }
0x9d: {  	[timem:s6], [sflag:s22] =	dma.local [hbm:s4], s20  }
0x9e: {  	_ =	swait.ge [sflag:s22], s20  }
0x9f: {  	s3 =	ssub.s32 $0x0, s20;
	[sflag:s22] =	ssyncset.done $0x0  }
0xa0: {  	[sflag:s22] =	ssyncadd.s32 s3;
	_ =	sdelay $0x1  }
0xa1: {  	s23 =	simm.s32 $0x1B8B  }
0xa2: {  	_ =	swait.ge [sflag:s23], $0x1  }
0xa3: {  	[sflag:s23] =	ssyncset.done $0x0  }
0xa4: {  	s25 =	simm.s32 $0x1B8E;
	s24 =	sld [smem:$0x3FFE];
	[sflag:s23] =	ssyncadd.s32 $0xFFFFFFFF  }
0xa5: {  	s26 =	simm.s32 $execute0_lowered;
	[smem:$0x3FD2] =	sst s25  }
0xa6: {  	s4 =	sshll.u32 s26, $0x1;
	_ =	strace $0x80000046;
	[dreg:$0x1] =	wrdreg $0xFFFFFFFF  }
0xa7: {  	s28 =	simm.s32 $_size_execute0_lowered;
	s2 =	sadd.s32 s2, s4;
	[dreg:$0x0] =	wrdreg $0x0  }
0xa8: {  	s4 =	sshll.u32 s28, $0x1;
	[dreg:$0x2] =	wrdreg s2  }
0xa9: {  	[dreg:$0x3] =	wrdreg s4  }
0xaa: {  	[dreg:$0x4] =	wrdreg $0xC0  }
0xab: {  	_ =	task [dreg:s6], $0x5FFFF  }
0xac: {  	[dreg:$0x1] =	wrdreg $0xFFFFFFFF  }
0xad: {  	[dreg:$0x0] =	wrdreg $0x60  }
0xae: {  	[dreg:$0x2] =	wrdreg s24  }
0xaf: {  	[dreg:$0x3] =	wrdreg $0x9  }
0xb0: {  	_ =	task.clear_ibuf [dreg:s6], $0x4FFFF;
	_ =	strace $0x90000046  }
0xb1: {  	s29 =	simm.s32 $0x9;
	_ =	strace $0x80000048  }
0xb2: {  	_ =	swait.ge [sflag:s29], $0x1  }
0xb3: {  	[sflag:s29] =	ssyncadd.s32 $0xFFFFFFFF  }
0xb4: {  	_ =	strace $0x90000048  }
0xb5: {  	_ =	sfence  }
0xb6: {  	s30 =	sld [smem:$0x0];
	_ =	sdelay $0x2  }
0xb7: {  	s31 =	sshll.u32 s1, $0xD;
	s1 =	sshrl.u32 s1, $0x2  }
0xb8: {  	s3 =	sand.u32 $0x4000, s31;
	s1 =	sadd.s32 s1, s30  }
0xb9: {  	s0 =	sor.u32 s3, s0;
	s1 =	sshll.u32 s1, $0x11  }
0xba: {  	s0 =	sor.u32 s1, s0  }
0xbb: {  	s0 =	sadd.s32 $0x8F2B, s0  }
0xbc: {  	[sflag:s0] =	ssyncadd.remote.s32 $0x1  }
0xbd: {  	_ =	sfence.sel $0xFFFF  }
0xbe: {  	[dreg:$0x0] =	wrdreg $0xFFFFFFFF;
	(pc) =	sbr.abs _section_cstart, $3  }
0xbf: {  	[dreg:$0x1] =	wrdreg $0xFFFFFFFF  }
0xc0: {  	_ =	task.clear_ibuf [dreg:s6], $0x2FFFF;
	_ =	strace $0x9FFFFFFF  }
0xc1: {  	(tm) =	ssettm $0x7FFFFFFF  }
tec
execute0_lowered:
.L_overlay_start_1:
0x0: {  	(tag) =	ssettag $0x1  }
0x1: {  	s1 =	srdreg.scid  }
0x2: {  	s0 =	stileid.u32;
	s4 =	rddreg [dreg:$0x0]  }
0x3: {  	s2 =	simm.s32 $0x0;
	s11 =	simm.s32 $0x0;
	s3 =	sand.u32 $0x1, s1  }
0x4: {  	s31 =	sshll.u32 s0, $0x1;
	s1 =	rddreg [dreg:$0x1];
	s8 =	smul.u32 $0xF800, s0  }
0x5: {  	[smem:$0x7FF] =	sst s2;
	s5 =	sor.u32 s3, s31;
	s10 =	smul.u32 $0x7C00, s3  }
0x6: {  	s7 =	ssub.s32 $0x2, s3;
	s6 =	smul.u32 $0x7C00, s5;
	s5 =	sshll.u32 s5, $0x4  }
0x7: {  	_ =	strace $0x80000047;
	s9 =	sshrl.u32 s7, $0x1;
	s5 =	sadd.s32 s5, s4  }
0x8: {  	s7 =	ssub.s32 s7, s9;
	s8 =	sadd.s32 s10, s8;
	s6 =	sshrl.u32 s6, $0x3  }
0x9: {  	s9 =	simm.s32 $0x7C00;
	s10 =	simm.s32 $0x7C80;
	s6 =	sadd.s32 s6, s4  }
0xa: {  	s4 =	sadd.s32 $0x20A00, s5;
	s5 =	sadd.s32 $0x20C00, s5;
	s3 =	sadd.s32 $0x1A00, s6  }
0xb: {  	s6 =	smax.u32 s7, $0x1;
	s7 =	sor.u32 $0x40, s8;
	s8 =	simm.s32 $0x1  }
.LBB2_1:
0xc: {  	[tilespmem:s2], [sflag:$0x1] =	stream.linear.gather [hbm4b:s3+s2], $0x7C00, $0x38;
	[tilespmem:$0x7D00] =	vst v63  }
0xd: {  	_ =	swait.ge [sflag:s8], $0x7C00  }
0xe: {  	[sflag:s8] =	ssyncset.done $0x0  }
0xf: {  	s12 =	simm.s32 $0x40;
	[sflag:s8] =	ssyncadd.s32 $0xFFFF8400  }
0x10: {  	v0 =	vld [tilespmem:s12+$0xFFFFFFC0]  }
0x11: {  	v1 =	vld [tilespmem:s12+$0xFFFFFFD0]  }
0x12: {  	v2 =	vld [tilespmem:s12+$0xFFFFFFE0]  }
0x13: {  	v3 =	vld [tilespmem:s12+$0xFFFFFFF0];
	_ =	sdelay $0x4  }
0x14: {  	v4 =	vmax.f32 v0, v1;
	v5 =	vmax.f32 v2, v3  }
0x15: {  	v6 =	vimm.f32 $-Inf;
	v4 =	vmax.f32 v4, v5  }
0x16: {  	vm0 =	vgt.f32 v4, v6  }
0x17: {  	v4 =	vmpcnt.ones.xlane vm0;
	_ =	sdelay $0x1  }
0x18: {  	(v2sf) =	vpush v4, $0x0;
	_ =	sdelay $0xe  }
0x19: {  	s13 =	spop (v2sf)  }
0x1a: {  	p0 =	slt.s32 s13, $0x1  }
0x1b: {  	s13 =	sadd.s32 @!p0 $0xFFFFFFC0, s7;
	v4 =	vlaneseq.u32 @!p0  }
0x1c: {  	v5 =	vor.u32 @!p0 s13, v4  }
0x1d: {  	(xrf1) =	vsort.dscd.msk.f32 @!p0 $0xffff, v0, v5;
	_ =	sdelay $0xd  }
0x1e: {  	v0 =	vor.u32 @!p0 $0x10, v4;
	v5, v7, _ =	vpop @!p0 (xrf1)  }
0x1f: {  	v8 =	vimm.s32 $0x0;
	v0 =	vor.u32 @!p0 s13, v0;
	vm0 =	vge.f32 @!p0 v5, v6  }
0x20: {  	(xrf1) =	vsort.dscd.msk.f32 @!p0 $0xffff, v1, v0;
	v5 =	vsel @!p0 vm0, v5, v6;
	v7 =	vsel @!p0 vm0, v7, v8  }
0x21: {  	(xrf1) =	vsort.ascd.msk.f32 @!p0 $0xffff, v5, v7;
	_ =	sdelay $0xc  }
0x22: {  	v0, v1, _ =	vpop @!p0 (xrf1)  }
0x23: {  	v5 =	vor.u32 @!p0 $0x20, v4;
	v7, v9, _ =	vpop @!p0 (xrf1)  }
0x24: {  	v5 =	vor.u32 @!p0 s13, v5;
	vm0 =	vge.f32 @!p0 v0, v7  }
0x25: {  	(xrf1) =	vsort.dscd.msk.f32 @!p0 $0xffff, v2, v5;
	v0 =	vsel @!p0 vm0, v0, v7;
	v1 =	vsel @!p0 vm0, v1, v9  }
0x26: {  	(xrf1) =	vsort.ascd.msk.f32 @!p0 $0xffff, v0, v1;
	_ =	sdelay $0xc  }
0x27: {  	v0, v1, _ =	vpop @!p0 (xrf1)  }
0x28: {  	v2 =	vor.u32 @!p0 $0x30, v4;
	v4, v5, _ =	vpop @!p0 (xrf1)  }
0x29: {  	v2 =	vor.u32 @!p0 s13, v2;
	vm0 =	vge.f32 @!p0 v0, v4  }
0x2a: {  	(xrf1) =	vsort.dscd.msk.f32 @!p0 $0xffff, v3, v2;
	v0 =	vsel @!p0 vm0, v0, v4;
	v1 =	vsel @!p0 vm0, v1, v5  }
0x2b: {  	(xrf1) =	vsort.ascd.msk.f32 @!p0 $0xffff, v0, v1;
	_ =	sdelay $0xc  }
0x2c: {  	v0, v1, _ =	vpop @!p0 (xrf1)  }
0x2d: {  	v2, v3, _ =	vpop @!p0 (xrf1)  }
0x2e: {  	vm0 =	vge.f32 @!p0 v0, v2  }
0x2f: {  	v0 =	vsel @!p0 vm0, v0, v2;
	v1 =	vsel @!p0 vm0, v1, v3  }
0x30: {  	(xrf1) =	vsort.ascd.msk.f32 @!p0 $0xffff, v0, v1;
	_ =	sdelay $0x7  }
0x31: {  	v4 =	vld [tilespmem:s12+$0x20]  }
0x32: {  	v5 =	vld [tilespmem:s12+$0x30]  }
0x33: {  	v3 =	vld [tilespmem:s12+$0x10]  }
0x34: {  	v1 =	vld [tilespmem:s12+$0x0];
	_ =	sdelay $0x2  }
0x35: {  	v0 =	vimm.s32 @!p0 $0xB;
	v2, v7, _ =	vpop @!p0 (xrf1)  }
0x36: {  	v0 =	vperm.xlane @!p0 v2, v0  }
0x37: {  	v10 =	vmax.f32 v4, v5;
	v63 =	vmax.f32 v1, v3  }
0x38: {  	v9 =	vmax.f32 v63, v10;
	v0 =	vpsel p0, v6, v0  }
0x39: {  	vm15 =	vgt.f32 v9, v0  }
0x3a: {  	v9 =	vmpcnt.ones.xlane vm15;
	_ =	sdelay $0x1  }
0x3b: {  	(v2sf) =	vpush v9, $0x0;
	_ =	sdelay $0xe  }
0x3c: {  	s31 =	spop (v2sf)  }
0x3d: {  	p1 =	slt.s32 s31, $0x1  }
0x3e: {  	v9 =	vlaneseq.u32 @!p1  }
0x3f: {  	v10 =	vor.u32 @!p1 s7, v9  }
0x40: {  	(xrf1) =	vsort.dscd.msk.f32 @!p1 $0xffff, v1, v10;
	_ =	sdelay $0xd  }
0x41: {  	v1 =	vpsel p0, v6, v2;
	v6 =	vor.u32 @!p1 $0x10, v9;
	v10, v11, _ =	vpop @!p1 (xrf1)  }
0x42: {  	v2 =	vpsel p0, v8, v7;
	v6 =	vor.u32 @!p1 s7, v6;
	vm0 =	vge.f32 @!p1 v10, v1  }
0x43: {  	(xrf1) =	vsort.dscd.msk.f32 @!p1 $0xffff, v3, v6;
	v7 =	vsel @!p1 vm0, v10, v1;
	v8 =	vsel @!p1 vm0, v11, v2  }
0x44: {  	(xrf1) =	vsort.ascd.msk.f32 @!p1 $0xffff, v7, v8;
	_ =	sdelay $0xc  }
0x45: {  	v3, v6, _ =	vpop @!p1 (xrf1)  }
0x46: {  	v7 =	vor.u32 @!p1 $0x20, v9;
	v8, v10, _ =	vpop @!p1 (xrf1)  }
0x47: {  	v7 =	vor.u32 @!p1 s7, v7;
	vm0 =	vge.f32 @!p1 v3, v8  }
0x48: {  	(xrf1) =	vsort.dscd.msk.f32 @!p1 $0xffff, v4, v7;
	v3 =	vsel @!p1 vm0, v3, v8;
	v6 =	vsel @!p1 vm0, v6, v10  }
0x49: {  	(xrf1) =	vsort.ascd.msk.f32 @!p1 $0xffff, v3, v6;
	_ =	sdelay $0xc  }
0x4a: {  	v3, v4, _ =	vpop @!p1 (xrf1)  }
0x4b: {  	v6 =	vor.u32 @!p1 $0x30, v9;
	v7, v8, _ =	vpop @!p1 (xrf1)  }
0x4c: {  	v6 =	vor.u32 @!p1 s7, v6;
	vm0 =	vge.f32 @!p1 v3, v7  }
0x4d: {  	(xrf1) =	vsort.dscd.msk.f32 @!p1 $0xffff, v5, v6;
	v3 =	vsel @!p1 vm0, v3, v7;
	v4 =	vsel @!p1 vm0, v4, v8  }
0x4e: {  	(xrf1) =	vsort.ascd.msk.f32 @!p1 $0xffff, v3, v4;
	_ =	sdelay $0xc  }
0x4f: {  	v3, v4, _ =	vpop @!p1 (xrf1)  }
0x50: {  	v5, v6, _ =	vpop @!p1 (xrf1)  }
0x51: {  	vm0 =	vge.f32 @!p1 v3, v5  }
0x52: {  	v3 =	vsel @!p1 vm0, v3, v5;
	v4 =	vsel @!p1 vm0, v4, v6  }
0x53: {  	(xrf1) =	vsort.ascd.msk.f32 @!p1 $0xffff, v3, v4;
	_ =	sdelay $0x6  }
0x54: {  	s14 =	smov.u32 s7;
	s13 =	simm.s32 $0xC0;
	s12 =	simm.s32 $0x0  }
.LBB2_2:
0x55: {  	v3 =	vld [tilespmem:s13+$0xFFFFFFC0]  }
0x56: {  	v4 =	vld [tilespmem:s13+$0xFFFFFFD0]  }
0x57: {  	v5 =	vld [tilespmem:s13+$0xFFFFFFE0]  }
0x58: {  	s12 =	sadd.s32 $0x2, s12;
	v6 =	vld [tilespmem:s13+$0xFFFFFFF0]  }
0x59: {  	p0 =	slt.u32 s12, $0x1EE;
	_ =	sdelay $0x1  }
0x5a: {  	v7 =	vimm.s32 @!p1 $0xB;
	v8, v9, _ =	vpop @!p1 (xrf1)  }
0x5b: {  	v7 =	vperm.xlane @!p1 v8, v7;
	v1 =	vpsel p1, v1, v8;
	v2 =	vpsel p1, v2, v9  }
0x5c: {  	v8 =	vmax.f32 v3, v4;
	v9 =	vmax.f32 v5, v6  }
0x5d: {  	v8 =	vmax.f32 v8, v9;
	v0 =	vpsel p1, v0, v7  }
0x5e: {  	vm0 =	vgt.f32 v8, v0  }
0x5f: {  	v7 =	vmpcnt.ones.xlane vm0;
	_ =	sdelay $0x1  }
0x60: {  	(v2sf) =	vpush v7, $0x0;
	_ =	sdelay $0xe  }
0x61: {  	s15 =	spop (v2sf)  }
0x62: {  	s14 =	sadd.s32 $0x80, s14;
	p1 =	slt.s32 s15, $0x1  }
0x63: {  	s15 =	sadd.s32 @!p1 $0xFFFFFFC0, s14;
	v7 =	vlaneseq.u32 @!p1;
	v8 =	vimm.s32 @!p1 $0xB  }
0x64: {  	v9 =	vor.u32 @!p1 s15, v7  }
0x65: {  	(xrf1) =	vsort.dscd.msk.f32 @!p1 $0xffff, v3, v9;
	_ =	sdelay $0xd  }
0x66: {  	v3 =	vor.u32 @!p1 $0x10, v7;
	v9, v10, _ =	vpop @!p1 (xrf1)  }
0x67: {  	v3 =	vor.u32 @!p1 s15, v3;
	vm0 =	vge.f32 @!p1 v9, v1  }
0x68: {  	v9 =	vsel @!p1 vm0, v9, v1;
	v10 =	vsel @!p1 vm0, v10, v2;
	(xrf1) =	vsort.dscd.msk.f32 @!p1 $0xffff, v4, v3  }
0x69: {  	(xrf1) =	vsort.ascd.msk.f32 @!p1 $0xffff, v9, v10;
	_ =	sdelay $0xc  }
0x6a: {  	v3, v4, _ =	vpop @!p1 (xrf1)  }
0x6b: {  	v9 =	vor.u32 @!p1 $0x20, v7;
	v10, v11, _ =	vpop @!p1 (xrf1)  }
0x6c: {  	v9 =	vor.u32 @!p1 s15, v9;
	vm0 =	vge.f32 @!p1 v3, v10  }
0x6d: {  	v3 =	vsel @!p1 vm0, v3, v10;
	v4 =	vsel @!p1 vm0, v4, v11;
	(xrf1) =	vsort.dscd.msk.f32 @!p1 $0xffff, v5, v9  }
0x6e: {  	(xrf1) =	vsort.ascd.msk.f32 @!p1 $0xffff, v3, v4;
	_ =	sdelay $0xc  }
0x6f: {  	v3, v4, _ =	vpop @!p1 (xrf1)  }
0x70: {  	v5 =	vor.u32 @!p1 $0x30, v7;
	v7, v9, _ =	vpop @!p1 (xrf1)  }
0x71: {  	v5 =	vor.u32 @!p1 s15, v5;
	vm0 =	vge.f32 @!p1 v3, v7  }
0x72: {  	v3 =	vsel @!p1 vm0, v3, v7;
	v4 =	vsel @!p1 vm0, v4, v9;
	(xrf1) =	vsort.dscd.msk.f32 @!p1 $0xffff, v6, v5  }
0x73: {  	(xrf1) =	vsort.ascd.msk.f32 @!p1 $0xffff, v3, v4;
	_ =	sdelay $0xc  }
0x74: {  	v3, v4, _ =	vpop @!p1 (xrf1)  }
0x75: {  	v5, v6, _ =	vpop @!p1 (xrf1)  }
0x76: {  	vm0 =	vge.f32 @!p1 v3, v5  }
0x77: {  	v3 =	vsel @!p1 vm0, v3, v5;
	v4 =	vsel @!p1 vm0, v4, v6  }
0x78: {  	(xrf1) =	vsort.ascd.msk.f32 @!p1 $0xffff, v3, v4;
	_ =	sdelay $0x7  }
0x79: {  	v3 =	vld [tilespmem:s13+$0x0]  }
0x7a: {  	v4 =	vld [tilespmem:s13+$0x10]  }
0x7b: {  	v5 =	vld [tilespmem:s13+$0x20]  }
0x7c: {  	v6 =	vld [tilespmem:s13+$0x30];
	_ =	sdelay $0x2  }
0x7d: {  	v7, v9, _ =	vpop @!p1 (xrf1)  }
0x7e: {  	v8 =	vperm.xlane @!p1 v7, v8;
	v1 =	vpsel p1, v1, v7;
	v2 =	vpsel p1, v2, v9  }
0x7f: {  	v7 =	vmax.f32 v3, v4;
	v9 =	vmax.f32 v5, v6  }
0x80: {  	v0 =	vpsel p1, v0, v8;
	v7 =	vmax.f32 v7, v9  }
0x81: {  	vm0 =	vgt.f32 v7, v0  }
0x82: {  	v7 =	vmpcnt.ones.xlane vm0;
	_ =	sdelay $0x1  }
0x83: {  	(v2sf) =	vpush v7, $0x0;
	_ =	sdelay $0xe  }
0x84: {  	s15 =	spop (v2sf)  }
0x85: {  	p1 =	slt.s32 s15, $0x1  }
0x86: {  	v7 =	vlaneseq.u32 @!p1  }
0x87: {  	v8 =	vor.u32 @!p1 s14, v7  }
0x88: {  	(xrf1) =	vsort.dscd.msk.f32 @!p1 $0xffff, v3, v8;
	_ =	sdelay $0xd  }
0x89: {  	v3 =	vor.u32 @!p1 $0x10, v7;
	v8, v9, _ =	vpop @!p1 (xrf1)  }
0x8a: {  	v3 =	vor.u32 @!p1 s14, v3;
	vm0 =	vge.f32 @!p1 v8, v1  }
0x8b: {  	v8 =	vsel @!p1 vm0, v8, v1;
	v9 =	vsel @!p1 vm0, v9, v2;
	(xrf1) =	vsort.dscd.msk.f32 @!p1 $0xffff, v4, v3  }
0x8c: {  	(xrf1) =	vsort.ascd.msk.f32 @!p1 $0xffff, v8, v9;
	_ =	sdelay $0xc  }
0x8d: {  	v3, v4, _ =	vpop @!p1 (xrf1)  }
0x8e: {  	v8 =	vor.u32 @!p1 $0x20, v7;
	v9, v10, _ =	vpop @!p1 (xrf1)  }
0x8f: {  	v8 =	vor.u32 @!p1 s14, v8;
	vm0 =	vge.f32 @!p1 v3, v9  }
0x90: {  	v3 =	vsel @!p1 vm0, v3, v9;
	v4 =	vsel @!p1 vm0, v4, v10;
	(xrf1) =	vsort.dscd.msk.f32 @!p1 $0xffff, v5, v8  }
0x91: {  	(xrf1) =	vsort.ascd.msk.f32 @!p1 $0xffff, v3, v4;
	_ =	sdelay $0xc  }
0x92: {  	v3, v4, _ =	vpop @!p1 (xrf1)  }
0x93: {  	v5 =	vor.u32 @!p1 $0x30, v7;
	v7, v8, _ =	vpop @!p1 (xrf1)  }
0x94: {  	v5 =	vor.u32 @!p1 s14, v5;
	vm0 =	vge.f32 @!p1 v3, v7  }
0x95: {  	v3 =	vsel @!p1 vm0, v3, v7;
	v4 =	vsel @!p1 vm0, v4, v8;
	(xrf1) =	vsort.dscd.msk.f32 @!p1 $0xffff, v6, v5  }
0x96: {  	(xrf1) =	vsort.ascd.msk.f32 @!p1 $0xffff, v3, v4;
	_ =	sdelay $0xc  }
0x97: {  	v3, v4, _ =	vpop @!p1 (xrf1)  }
0x98: {  	v5, v6, _ =	vpop @!p1 (xrf1)  }
0x99: {  	vm0 =	vge.f32 @!p1 v3, v5  }
0x9a: {  	v3 =	vsel @!p1 vm0, v3, v5;
	v4 =	vsel @!p1 vm0, v4, v6  }
0x9b: {  	(xrf1) =	vsort.ascd.msk.f32 @!p1 $0xffff, v3, v4;
	_ =	sdelay $0x2  }
.Ltmp0:
0x9c: {  	(pc) =	sbr.rel @p0 .LBB2_2-.Ltmp0, $2  }
0x9d: {  	_ =	sdelay $0x2  }
0x9e: {  	s13 =	sadd.s32 $0x80, s13  }
0x9f: {  	_ =	sdelay $0x5  }
0xa0: {  	v0, v3, _ =	vpop @!p1 (xrf1)  }
0xa1: {  	v0 =	vpsel p1, v1, v0  }
0xa2: {  	v63 =	vpsel p1, v2, v3;
	[tilespmem:$0x7C00] =	vst v0  }
0xa3: {  	[tilespmem:$0x7C80] =	vst v63  }
0xa4: {  	[hbm4b:s4+s2] =	stream.linear.scatter [tilespmem:s9], [sflag:$0x1], $0x80, $0x38;
	[tilespmem:$0x7D00] =	vst v63  }
0xa5: {  	s11 =	sadd.s32 $0x1, s11;
	_ =	swait.ge [sflag:s8], $0x80  }
0xa6: {  	p0 =	sne.s32 s11, s6;
	[sflag:s8] =	ssyncset.done $0x0  }
.Ltmp1:
0xa7: {  	[sflag:s8] =	ssyncadd.s32 $0xFFFFFF80;
	(pc) =	sbr.rel @p0 .LBB2_1-.Ltmp1, $4  }
0xa8: {  	[hbm4b:s5+s2] =	stream.linear.scatter [tilespmem:s10], [sflag:$0x1], $0x80, $0x38;
	[tilespmem:$0x7D00] =	vst v63  }
0xa9: {  	_ =	swait.ge [sflag:s8], $0x80  }
0xaa: {  	[sflag:s8] =	ssyncset.done $0x0  }
0xab: {  	[sflag:s8] =	ssyncadd.s32 $0xFFFFFF80  }
0xac: {  	_ =	sfence.sel $0x180000  }
0xad: {  	[bflag:$0x0] =	sbarrier.arrive $0xFFFF  }
0xae: {  	p0 =	sne.s32 s0, $0x0;
	_ =	strace $0x90000047  }
0xaf: {  	s0 =	sadd.s32 @!p0 $0x100000, s1;
	[bflag:$0x2] =	sbarrier.arrive $0xFFFF  }
0xb0: {  	[sflag:s0] =	ssyncadd.tile.s32 @!p0 $0x1;
	_ =	shalt  }
.Lfunc_end2:
_tile_overlayer_lowered:
.L_overlay_start_2:
0xb1: {  	(tag) =	ssettag $0x2  }
0xb2: {  	s0 =	rddreg [dreg:$0x0];
	s2 =	stileid.u32  }
0xb3: {  	s1 =	rddreg [dreg:$0x1];
	p0 =	sne.s32 s2, $0x0  }
0xb4: {  	s3 =	rddreg [dreg:$0x2];
	[bflag:$0x3] =	sbarrier.arrive $0xFFFF;
	s2 =	simm.s32 @!p0 $0x1C01  }
0xb5: {  	[timem:s3], [sflag:s2] =	dma.local @!p0 [hbm:s0], s1  }
0xb6: {  	s0 =	simm.s32 @!p0 $0x1  }
0xb7: {  	_ =	swait.ge @!p0 [sflag:s0], s1  }
0xb8: {  	s1 =	ssub.s32 @!p0 $0x0, s1;
	[sflag:s0] =	ssyncset.done @!p0 $0x0  }
0xb9: {  	[sflag:s0] =	ssyncadd.s32 @!p0 s1  }
0xba: {  	[bflag:$0x3] =	sbarrier.arrive $0xFFFF  }
0xbb: {  	_ =	shalt  }

</sc_bundles>
